<compile_context>
chip_gen: v7x
topology: tpu7x:2x2x1
jax: 0.10.2.dev20260603
libtpu: 0.0.44.dev20260713+nightly
codegen_flags: <defaults>
</compile_context>

<pallas_src>
import functools

import jax
import jax.numpy as jnp
from jax import lax
from jax.experimental import pallas as pl
from jax.experimental.pallas import tpu as pltpu
from jax.experimental.pallas import tpu_sc as plsc

_NUM_CORES = 2
_NUM_SUBCORES = 16
_NUM_WORKERS = _NUM_CORES * _NUM_SUBCORES
_LANES = 16

_D = 128
_CHUNK = 64
_NBUF = 4


def _mf_bpr_body(b_per_w, n_chunk, u_hbm, i_hbm, j_hbm, p_hbm, q_hbm,
                 pi_hbm, pj_hbm, u_v, i_v, j_v, pu_v, qi_v, qj_v,
                 oi_v, oj_v, sems, osem):
    wid = lax.axis_index("s") * _NUM_CORES + lax.axis_index("c")
    base = wid * b_per_w

    stage = (
        pltpu.make_async_copy(u_hbm.at[pl.ds(base, b_per_w)], u_v, osem),
        pltpu.make_async_copy(i_hbm.at[pl.ds(base, b_per_w)], i_v, osem),
        pltpu.make_async_copy(j_hbm.at[pl.ds(base, b_per_w)], j_v, osem),
    )
    for cp in stage:
        cp.start()
    for cp in stage:
        cp.wait()

    lane = lax.iota(jnp.int32, _LANES)
    zero = jnp.zeros((_LANES,), jnp.float32)

    def copies(c, par):
        sl = pl.ds(c * _CHUNK, _CHUNK)
        return (
            pltpu.make_async_copy(p_hbm.at[u_v.at[sl]], pu_v.at[par], sems.at[par]),
            pltpu.make_async_copy(q_hbm.at[i_v.at[sl]], qi_v.at[par], sems.at[par]),
            pltpu.make_async_copy(q_hbm.at[j_v.at[sl]], qj_v.at[par], sems.at[par]),
        )

    def start(c, par):
        for cp in copies(c, par):
            cp.start()

    def process(c, par):
        for cp in copies(c, par):
            cp.wait()
        pu, qi, qj = pu_v.at[par], qi_v.at[par], qj_v.at[par]
        out_base = c * _CHUNK

        def group(g, _):
            rows = g * _LANES + lane

            def body(k, carry):
                t0, ai0, ai1, aj0, aj1 = carry
                p0 = plsc.load_gather(pu, [rows, t0])
                a0 = plsc.load_gather(qi, [rows, t0])
                b0 = plsc.load_gather(qj, [rows, t0])
                t1 = (t0 + 1) & (_D - 1)
                p1 = plsc.load_gather(pu, [rows, t1])
                a1 = plsc.load_gather(qi, [rows, t1])
                b1 = plsc.load_gather(qj, [rows, t1])
                t2 = (t1 + 1) & (_D - 1)
                return (t2, ai0 + p0 * a0, ai1 + p1 * a1,
                        aj0 + p0 * b0, aj1 + p1 * b1)

            init = (lane, zero, zero, zero, zero)
            _, ai0, ai1, aj0, aj1 = lax.fori_loop(0, _D // 2, body, init,
                                                  unroll=2)
            off = out_base + g * _LANES
            oi_v[pl.ds(off, _LANES)] = ai0 + ai1
            oj_v[pl.ds(off, _LANES)] = aj0 + aj1
            return 0

        lax.fori_loop(0, _CHUNK // _LANES, group, 0)

    for b in range(_NBUF - 1):
        start(b, b)

    def super_step(s, _):
        for b in range(_NBUF):
            c = s * _NBUF + b
            pre = c + _NBUF - 1

            @pl.when(pre < n_chunk)
            def _():
                start(pre, pre % _NBUF)

            process(c, b)
        return 0

    lax.fori_loop(0, n_chunk // _NBUF, super_step, 0)

    out = (
        pltpu.make_async_copy(oi_v, pi_hbm.at[pl.ds(base, b_per_w)], osem),
        pltpu.make_async_copy(oj_v, pj_hbm.at[pl.ds(base, b_per_w)], osem),
    )
    for cp in out:
        cp.start()
    for cp in out:
        cp.wait()


@jax.jit
def kernel(u, i, j, P, Q):
    batch = u.shape[0]
    b_per_w = batch // _NUM_WORKERS
    n_chunk = b_per_w // _CHUNK

    mesh = plsc.VectorSubcoreMesh(
        core_axis_name="c", subcore_axis_name="s",
        num_cores=_NUM_CORES, num_subcores=_NUM_SUBCORES)

    run = pl.kernel(
        functools.partial(_mf_bpr_body, b_per_w, n_chunk),
        out_type=(
            jax.ShapeDtypeStruct((batch,), jnp.float32),
            jax.ShapeDtypeStruct((batch,), jnp.float32),
        ),
        mesh=mesh,
        compiler_params=pltpu.CompilerParams(needs_layout_passes=False),
        scratch_types=[
            pltpu.VMEM((b_per_w,), jnp.int32),
            pltpu.VMEM((b_per_w,), jnp.int32),
            pltpu.VMEM((b_per_w,), jnp.int32),
            pltpu.VMEM((_NBUF, _CHUNK, _D), jnp.float32),
            pltpu.VMEM((_NBUF, _CHUNK, _D), jnp.float32),
            pltpu.VMEM((_NBUF, _CHUNK, _D), jnp.float32),
            pltpu.VMEM((b_per_w,), jnp.float32),
            pltpu.VMEM((b_per_w,), jnp.float32),
            pltpu.SemaphoreType.DMA((_NBUF,)),
            pltpu.SemaphoreType.DMA,
        ],
    )
    pi, pj = run(u.astype(jnp.int32), i.astype(jnp.int32), j.astype(jnp.int32),
                 P, Q)
    return pi, pj

# --- scband reference (transcript-rebuilt; emitter-appended) ---
"""Pipeline reference for scband-mf-bpr-549755814524 (READ-ONLY COPY).

The authoritative reference and input builder live on the scoring server;
editing this copy changes nothing except your own understanding.
"""

import jax, jax.numpy as jnp
import numpy as np

NUM_USER = 1000000
NUM_ITEM = 1000000
N_FACTOR = 128
BATCH = 16384

def setup_inputs(seed: int = 0) -> dict:
    key = jax.random.key(seed)
    k1, k2, k3, k4, k5 = jax.random.split(key, 5)
    u = jax.random.randint(k1, (BATCH,), 0, NUM_USER, dtype=jnp.int64) if jax.config.jax_enable_x64 else jax.random.randint(k1, (BATCH,), 0, NUM_USER).astype(jnp.int32)
    i = jax.random.randint(k2, (BATCH,), 0, NUM_ITEM).astype(u.dtype)
    j = jax.random.randint(k3, (BATCH,), 0, NUM_ITEM).astype(u.dtype)
    P = jax.random.normal(k4, (NUM_USER, N_FACTOR), dtype=jnp.float32) * 0.01
    Q = jax.random.normal(k5, (NUM_ITEM, N_FACTOR), dtype=jnp.float32) * 0.01
    return {"u": u, "i": i, "j": j, "P": P, "Q": Q}

def reference(u, i, j, P, Q):
    # Faithful translation of MF_BPR.forward
    P_u = jnp.take(P, u, axis=0)
    Q_i = jnp.take(Q, i, axis=0)
    Q_j = jnp.take(Q, j, axis=0)
    pred_i = (P_u * Q_i).sum(axis=1)
    pred_j = (P_u * Q_j).sum(axis=1)
    return (pred_i, pred_j)

if __name__ == "__main__":
    import jax
    _d = setup_inputs()
    print(jax.jit(kernel)(*tuple(_d.values())))

</pallas_src>

<mosaic_0001>
#map = affine_map<(d0, d1) -> (0)>
#map1 = affine_map<(d0, d1) -> (0, 0)>
module attributes {stable_mosaic.version = 14 : i64} {
  func.func @_mf_bpr_body(%arg0: i32, %arg1: i32, %arg2: memref<16384xi32, #tpu.memory_space<hbm>>, %arg3: memref<16384xi32, #tpu.memory_space<hbm>>, %arg4: memref<16384xi32, #tpu.memory_space<hbm>>, %arg5: memref<1000000x128xf32, #tpu.memory_space<hbm>>, %arg6: memref<1000000x128xf32, #tpu.memory_space<hbm>>, %arg7: memref<16384xf32, #tpu.memory_space<hbm>>, %arg8: memref<16384xf32, #tpu.memory_space<hbm>>, %arg9: memref<512xi32, #tpu.memory_space<vmem>>, %arg10: memref<512xi32, #tpu.memory_space<vmem>>, %arg11: memref<512xi32, #tpu.memory_space<vmem>>, %arg12: memref<4x64x128xf32, #tpu.memory_space<vmem>>, %arg13: memref<4x64x128xf32, #tpu.memory_space<vmem>>, %arg14: memref<4x64x128xf32, #tpu.memory_space<vmem>>, %arg15: memref<512xf32, #tpu.memory_space<vmem>>, %arg16: memref<512xf32, #tpu.memory_space<vmem>>, %arg17: memref<4x!tpu.dma_semaphore, #tpu.memory_space<semaphore_mem>>, %arg18: memref<!tpu.dma_semaphore, #tpu.memory_space<semaphore_mem>>) attributes {dimension_semantics = [#tpu.dimension_semantics<core_parallel>, #tpu.dimension_semantics<subcore_parallel>], iteration_bounds = array<i64: 2, 16>, scalar_prefetch = 0 : i64, scratch_operands = 10 : i64, tpu.core_type = #tpu.core_type<sc_vector_subcore>, window_params = [{transform_indices = #map}, {transform_indices = #map}, {transform_indices = #map}, {transform_indices = #map1}, {transform_indices = #map1}, {transform_indices = #map}, {transform_indices = #map}]} {
    %mul3A = arith.constant 2 : i32
    %mul3A_0 = arith.muli %arg1, %mul3A : i32
    %add3A = arith.addi %mul3A_0, %arg0 : i32
    %mul3A_1 = arith.constant 512 : i32
    %mul3A_2 = arith.muli %add3A, %mul3A_1 : i32
    %dma_start3A = tpu.memref_slice %arg2[%mul3A_2] : memref<16384xi32, #tpu.memory_space<hbm>> -> memref<512xi32, #tpu.memory_space<hbm>>
    %dma_start3A_3 = tpu.memref_slice %arg2[%mul3A_2] : memref<16384xi32, #tpu.memory_space<hbm>> -> memref<512xi32, #tpu.memory_space<hbm>>
    tpu.enqueue_dma source(%dma_start3A_3 : memref<512xi32, #tpu.memory_space<hbm>>) target(%arg9 : memref<512xi32, #tpu.memory_space<vmem>>) target_semaphore(%arg18 : memref<!tpu.dma_semaphore, #tpu.memory_space<semaphore_mem>>)
    %dma_start3A_4 = tpu.memref_slice %arg3[%mul3A_2] : memref<16384xi32, #tpu.memory_space<hbm>> -> memref<512xi32, #tpu.memory_space<hbm>>
    %dma_start3A_5 = tpu.memref_slice %arg3[%mul3A_2] : memref<16384xi32, #tpu.memory_space<hbm>> -> memref<512xi32, #tpu.memory_space<hbm>>
    tpu.enqueue_dma source(%dma_start3A_5 : memref<512xi32, #tpu.memory_space<hbm>>) target(%arg10 : memref<512xi32, #tpu.memory_space<vmem>>) target_semaphore(%arg18 : memref<!tpu.dma_semaphore, #tpu.memory_space<semaphore_mem>>)
    %dma_start3A_6 = tpu.memref_slice %arg4[%mul3A_2] : memref<16384xi32, #tpu.memory_space<hbm>> -> memref<512xi32, #tpu.memory_space<hbm>>
    %dma_start3A_7 = tpu.memref_slice %arg4[%mul3A_2] : memref<16384xi32, #tpu.memory_space<hbm>> -> memref<512xi32, #tpu.memory_space<hbm>>
    tpu.enqueue_dma source(%dma_start3A_7 : memref<512xi32, #tpu.memory_space<hbm>>) target(%arg11 : memref<512xi32, #tpu.memory_space<vmem>>) target_semaphore(%arg18 : memref<!tpu.dma_semaphore, #tpu.memory_space<semaphore_mem>>)
    %dma_wait3A = tpu.memref_slice %arg2[%mul3A_2] : memref<16384xi32, #tpu.memory_space<hbm>> -> memref<512xi32, #tpu.memory_space<hbm>>
    %dma_wait3A_8 = tpu.memref_slice %arg2[%mul3A_2] : memref<16384xi32, #tpu.memory_space<hbm>> -> memref<512xi32, #tpu.memory_space<hbm>>
    tpu.wait_dma2 semaphore(%arg18 : memref<!tpu.dma_semaphore, #tpu.memory_space<semaphore_mem>>) src(%dma_wait3A_8 : memref<512xi32, #tpu.memory_space<hbm>>) dst(%arg9 : memref<512xi32, #tpu.memory_space<vmem>>)
    %dma_wait3A_9 = tpu.memref_slice %arg3[%mul3A_2] : memref<16384xi32, #tpu.memory_space<hbm>> -> memref<512xi32, #tpu.memory_space<hbm>>
    %dma_wait3A_10 = tpu.memref_slice %arg3[%mul3A_2] : memref<16384xi32, #tpu.memory_space<hbm>> -> memref<512xi32, #tpu.memory_space<hbm>>
    tpu.wait_dma2 semaphore(%arg18 : memref<!tpu.dma_semaphore, #tpu.memory_space<semaphore_mem>>) src(%dma_wait3A_10 : memref<512xi32, #tpu.memory_space<hbm>>) dst(%arg10 : memref<512xi32, #tpu.memory_space<vmem>>)
    %dma_wait3A_11 = tpu.memref_slice %arg4[%mul3A_2] : memref<16384xi32, #tpu.memory_space<hbm>> -> memref<512xi32, #tpu.memory_space<hbm>>
    %dma_wait3A_12 = tpu.memref_slice %arg4[%mul3A_2] : memref<16384xi32, #tpu.memory_space<hbm>> -> memref<512xi32, #tpu.memory_space<hbm>>
    tpu.wait_dma2 semaphore(%arg18 : memref<!tpu.dma_semaphore, #tpu.memory_space<semaphore_mem>>) src(%dma_wait3A_12 : memref<512xi32, #tpu.memory_space<hbm>>) dst(%arg11 : memref<512xi32, #tpu.memory_space<vmem>>)
    %iota3A = tpu.iota {dimensions = array<i32: 0>} : vector<16xi32>
    %broadcast_in_dim3A = arith.constant 0.000000e+00 : f32
    %broadcast_in_dim3A_13 = vector.broadcast %broadcast_in_dim3A : f32 to vector<16xf32>
    %dma_start3A_14 = arith.constant 0 : i32
    %dma_start3A_15 = arith.constant 0 : i32
    %dma_start3A_16 = arith.constant 0 : i32
    %dma_start3A_17 = arith.constant 0 : i32
    %dma_start3A_18 = tpu.memref_slice %arg12[%dma_start3A_14, %dma_start3A_16, %dma_start3A_17] : memref<4x64x128xf32, #tpu.memory_space<vmem>> -> memref<1x64x128xf32, #tpu.memory_space<vmem>>
    %dma_start3A_19 = tpu.memref_squeeze %dma_start3A_18 : memref<1x64x128xf32, #tpu.memory_space<vmem>> -> memref<64x128xf32, #tpu.memory_space<vmem>>
    %dma_start3A_20 = arith.constant 0 : i32
    %dma_start3A_21 = tpu.memref_slice %arg9[%dma_start3A_20] : memref<512xi32, #tpu.memory_space<vmem>> -> memref<64xi32, #tpu.memory_space<vmem>>
    %dma_start3A_22 = arith.constant 0 : i32
    %dma_start3A_23 = arith.constant 0 : i32
    %dma_start3A_24 = tpu.memref_slice %arg5[%dma_start3A_22, %dma_start3A_23] : memref<1000000x128xf32, #tpu.memory_space<hbm>> -> memref<1000000x128xf32, #tpu.memory_space<hbm>>
    %dma_start3A_25 = tpu.memref_slice %arg17[%dma_start3A_15] : memref<4x!tpu.dma_semaphore, #tpu.memory_space<semaphore_mem>> -> memref<1x!tpu.dma_semaphore, #tpu.memory_space<semaphore_mem>>
    %dma_start3A_26 = tpu.memref_squeeze %dma_start3A_25 : memref<1x!tpu.dma_semaphore, #tpu.memory_space<semaphore_mem>> -> memref<!tpu.dma_semaphore, #tpu.memory_space<semaphore_mem>>
    tpu.enqueue_indirect_dma source(%dma_start3A_24 : memref<1000000x128xf32, #tpu.memory_space<hbm>>) target(%dma_start3A_19 : memref<64x128xf32, #tpu.memory_space<vmem>>) offsets(%dma_start3A_21 : memref<64xi32, #tpu.memory_space<vmem>>) semaphore(%dma_start3A_26 : memref<!tpu.dma_semaphore, #tpu.memory_space<semaphore_mem>>)
    %dma_start3A_27 = arith.constant 0 : i32
    %dma_start3A_28 = arith.constant 0 : i32
    %dma_start3A_29 = arith.constant 0 : i32
    %dma_start3A_30 = arith.constant 0 : i32
    %dma_start3A_31 = tpu.memref_slice %arg13[%dma_start3A_27, %dma_start3A_29, %dma_start3A_30] : memref<4x64x128xf32, #tpu.memory_space<vmem>> -> memref<1x64x128xf32, #tpu.memory_space<vmem>>
    %dma_start3A_32 = tpu.memref_squeeze %dma_start3A_31 : memref<1x64x128xf32, #tpu.memory_space<vmem>> -> memref<64x128xf32, #tpu.memory_space<vmem>>
    %dma_start3A_33 = arith.constant 0 : i32
    %dma_start3A_34 = tpu.memref_slice %arg10[%dma_start3A_33] : memref<512xi32, #tpu.memory_space<vmem>> -> memref<64xi32, #tpu.memory_space<vmem>>
    %dma_start3A_35 = arith.constant 0 : i32
    %dma_start3A_36 = arith.constant 0 : i32
    %dma_start3A_37 = tpu.memref_slice %arg6[%dma_start3A_35, %dma_start3A_36] : memref<1000000x128xf32, #tpu.memory_space<hbm>> -> memref<1000000x128xf32, #tpu.memory_space<hbm>>
    %dma_start3A_38 = tpu.memref_slice %arg17[%dma_start3A_28] : memref<4x!tpu.dma_semaphore, #tpu.memory_space<semaphore_mem>> -> memref<1x!tpu.dma_semaphore, #tpu.memory_space<semaphore_mem>>
    %dma_start3A_39 = tpu.memref_squeeze %dma_start3A_38 : memref<1x!tpu.dma_semaphore, #tpu.memory_space<semaphore_mem>> -> memref<!tpu.dma_semaphore, #tpu.memory_space<semaphore_mem>>
    tpu.enqueue_indirect_dma source(%dma_start3A_37 : memref<1000000x128xf32, #tpu.memory_space<hbm>>) target(%dma_start3A_32 : memref<64x128xf32, #tpu.memory_space<vmem>>) offsets(%dma_start3A_34 : memref<64xi32, #tpu.memory_space<vmem>>) semaphore(%dma_start3A_39 : memref<!tpu.dma_semaphore, #tpu.memory_space<semaphore_mem>>)
    %dma_start3A_40 = arith.constant 0 : i32
    %dma_start3A_41 = arith.constant 0 : i32
    %dma_start3A_42 = arith.constant 0 : i32
    %dma_start3A_43 = arith.constant 0 : i32
    %dma_start3A_44 = tpu.memref_slice %arg14[%dma_start3A_40, %dma_start3A_42, %dma_start3A_43] : memref<4x64x128xf32, #tpu.memory_space<vmem>> -> memref<1x64x128xf32, #tpu.memory_space<vmem>>
    %dma_start3A_45 = tpu.memref_squeeze %dma_start3A_44 : memref<1x64x128xf32, #tpu.memory_space<vmem>> -> memref<64x128xf32, #tpu.memory_space<vmem>>
    %dma_start3A_46 = arith.constant 0 : i32
    %dma_start3A_47 = tpu.memref_slice %arg11[%dma_start3A_46] : memref<512xi32, #tpu.memory_space<vmem>> -> memref<64xi32, #tpu.memory_space<vmem>>
    %dma_start3A_48 = arith.constant 0 : i32
    %dma_start3A_49 = arith.constant 0 : i32
    %dma_start3A_50 = tpu.memref_slice %arg6[%dma_start3A_48, %dma_start3A_49] : memref<1000000x128xf32, #tpu.memory_space<hbm>> -> memref<1000000x128xf32, #tpu.memory_space<hbm>>
    %dma_start3A_51 = tpu.memref_slice %arg17[%dma_start3A_41] : memref<4x!tpu.dma_semaphore, #tpu.memory_space<semaphore_mem>> -> memref<1x!tpu.dma_semaphore, #tpu.memory_space<semaphore_mem>>
    %dma_start3A_52 = tpu.memref_squeeze %dma_start3A_51 : memref<1x!tpu.dma_semaphore, #tpu.memory_space<semaphore_mem>> -> memref<!tpu.dma_semaphore, #tpu.memory_space<semaphore_mem>>
    tpu.enqueue_indirect_dma source(%dma_start3A_50 : memref<1000000x128xf32, #tpu.memory_space<hbm>>) target(%dma_start3A_45 : memref<64x128xf32, #tpu.memory_space<vmem>>) offsets(%dma_start3A_47 : memref<64xi32, #tpu.memory_space<vmem>>) semaphore(%dma_start3A_52 : memref<!tpu.dma_semaphore, #tpu.memory_space<semaphore_mem>>)
    %dma_start3A_53 = arith.constant 1 : i32
    %dma_start3A_54 = arith.constant 1 : i32
    %dma_start3A_55 = arith.constant 0 : i32
    %dma_start3A_56 = arith.constant 0 : i32
    %dma_start3A_57 = tpu.memref_slice %arg12[%dma_start3A_53, %dma_start3A_55, %dma_start3A_56] : memref<4x64x128xf32, #tpu.memory_space<vmem>> -> memref<1x64x128xf32, #tpu.memory_space<vmem>>
    %dma_start3A_58 = tpu.memref_squeeze %dma_start3A_57 : memref<1x64x128xf32, #tpu.memory_space<vmem>> -> memref<64x128xf32, #tpu.memory_space<vmem>>
    %dma_start3A_59 = arith.constant 64 : i32
    %dma_start3A_60 = tpu.memref_slice %arg9[%dma_start3A_59] : memref<512xi32, #tpu.memory_space<vmem>> -> memref<64xi32, #tpu.memory_space<vmem>>
    %dma_start3A_61 = arith.constant 0 : i32
    %dma_start3A_62 = arith.constant 0 : i32
    %dma_start3A_63 = tpu.memref_slice %arg5[%dma_start3A_61, %dma_start3A_62] : memref<1000000x128xf32, #tpu.memory_space<hbm>> -> memref<1000000x128xf32, #tpu.memory_space<hbm>>
    %dma_start3A_64 = tpu.memref_slice %arg17[%dma_start3A_54] : memref<4x!tpu.dma_semaphore, #tpu.memory_space<semaphore_mem>> -> memref<1x!tpu.dma_semaphore, #tpu.memory_space<semaphore_mem>>
    %dma_start3A_65 = tpu.memref_squeeze %dma_start3A_64 : memref<1x!tpu.dma_semaphore, #tpu.memory_space<semaphore_mem>> -> memref<!tpu.dma_semaphore, #tpu.memory_space<semaphore_mem>>
    tpu.enqueue_indirect_dma source(%dma_start3A_63 : memref<1000000x128xf32, #tpu.memory_space<hbm>>) target(%dma_start3A_58 : memref<64x128xf32, #tpu.memory_space<vmem>>) offsets(%dma_start3A_60 : memref<64xi32, #tpu.memory_space<vmem>>) semaphore(%dma_start3A_65 : memref<!tpu.dma_semaphore, #tpu.memory_space<semaphore_mem>>)
    %dma_start3A_66 = arith.constant 1 : i32
    %dma_start3A_67 = arith.constant 1 : i32
    %dma_start3A_68 = arith.constant 0 : i32
    %dma_start3A_69 = arith.constant 0 : i32
    %dma_start3A_70 = tpu.memref_slice %arg13[%dma_start3A_66, %dma_start3A_68, %dma_start3A_69] : memref<4x64x128xf32, #tpu.memory_space<vmem>> -> memref<1x64x128xf32, #tpu.memory_space<vmem>>
    %dma_start3A_71 = tpu.memref_squeeze %dma_start3A_70 : memref<1x64x128xf32, #tpu.memory_space<vmem>> -> memref<64x128xf32, #tpu.memory_space<vmem>>
    %dma_start3A_72 = arith.constant 64 : i32
    %dma_start3A_73 = tpu.memref_slice %arg10[%dma_start3A_72] : memref<512xi32, #tpu.memory_space<vmem>> -> memref<64xi32, #tpu.memory_space<vmem>>
    %dma_start3A_74 = arith.constant 0 : i32
    %dma_start3A_75 = arith.constant 0 : i32
    %dma_start3A_76 = tpu.memref_slice %arg6[%dma_start3A_74, %dma_start3A_75] : memref<1000000x128xf32, #tpu.memory_space<hbm>> -> memref<1000000x128xf32, #tpu.memory_space<hbm>>
    %dma_start3A_77 = tpu.memref_slice %arg17[%dma_start3A_67] : memref<4x!tpu.dma_semaphore, #tpu.memory_space<semaphore_mem>> -> memref<1x!tpu.dma_semaphore, #tpu.memory_space<semaphore_mem>>
    %dma_start3A_78 = tpu.memref_squeeze %dma_start3A_77 : memref<1x!tpu.dma_semaphore, #tpu.memory_space<semaphore_mem>> -> memref<!tpu.dma_semaphore, #tpu.memory_space<semaphore_mem>>
    tpu.enqueue_indirect_dma source(%dma_start3A_76 : memref<1000000x128xf32, #tpu.memory_space<hbm>>) target(%dma_start3A_71 : memref<64x128xf32, #tpu.memory_space<vmem>>) offsets(%dma_start3A_73 : memref<64xi32, #tpu.memory_space<vmem>>) semaphore(%dma_start3A_78 : memref<!tpu.dma_semaphore, #tpu.memory_space<semaphore_mem>>)
    %dma_start3A_79 = arith.constant 1 : i32
    %dma_start3A_80 = arith.constant 1 : i32
    %dma_start3A_81 = arith.constant 0 : i32
    %dma_start3A_82 = arith.constant 0 : i32
    %dma_start3A_83 = tpu.memref_slice %arg14[%dma_start3A_79, %dma_start3A_81, %dma_start3A_82] : memref<4x64x128xf32, #tpu.memory_space<vmem>> -> memref<1x64x128xf32, #tpu.memory_space<vmem>>
    %dma_start3A_84 = tpu.memref_squeeze %dma_start3A_83 : memref<1x64x128xf32, #tpu.memory_space<vmem>> -> memref<64x128xf32, #tpu.memory_space<vmem>>
    %dma_start3A_85 = arith.constant 64 : i32
    %dma_start3A_86 = tpu.memref_slice %arg11[%dma_start3A_85] : memref<512xi32, #tpu.memory_space<vmem>> -> memref<64xi32, #tpu.memory_space<vmem>>
    %dma_start3A_87 = arith.constant 0 : i32
    %dma_start3A_88 = arith.constant 0 : i32
    %dma_start3A_89 = tpu.memref_slice %arg6[%dma_start3A_87, %dma_start3A_88] : memref<1000000x128xf32, #tpu.memory_space<hbm>> -> memref<1000000x128xf32, #tpu.memory_space<hbm>>
    %dma_start3A_90 = tpu.memref_slice %arg17[%dma_start3A_80] : memref<4x!tpu.dma_semaphore, #tpu.memory_space<semaphore_mem>> -> memref<1x!tpu.dma_semaphore, #tpu.memory_space<semaphore_mem>>
    %dma_start3A_91 = tpu.memref_squeeze %dma_start3A_90 : memref<1x!tpu.dma_semaphore, #tpu.memory_space<semaphore_mem>> -> memref<!tpu.dma_semaphore, #tpu.memory_space<semaphore_mem>>
    tpu.enqueue_indirect_dma source(%dma_start3A_89 : memref<1000000x128xf32, #tpu.memory_space<hbm>>) target(%dma_start3A_84 : memref<64x128xf32, #tpu.memory_space<vmem>>) offsets(%dma_start3A_86 : memref<64xi32, #tpu.memory_space<vmem>>) semaphore(%dma_start3A_91 : memref<!tpu.dma_semaphore, #tpu.memory_space<semaphore_mem>>)
    %dma_start3A_92 = arith.constant 2 : i32
    %dma_start3A_93 = arith.constant 2 : i32
    %dma_start3A_94 = arith.constant 0 : i32
    %dma_start3A_95 = arith.constant 0 : i32
    %dma_start3A_96 = tpu.memref_slice %arg12[%dma_start3A_92, %dma_start3A_94, %dma_start3A_95] : memref<4x64x128xf32, #tpu.memory_space<vmem>> -> memref<1x64x128xf32, #tpu.memory_space<vmem>>
    %dma_start3A_97 = tpu.memref_squeeze %dma_start3A_96 : memref<1x64x128xf32, #tpu.memory_space<vmem>> -> memref<64x128xf32, #tpu.memory_space<vmem>>
    %dma_start3A_98 = arith.constant 128 : i32
    %dma_start3A_99 = tpu.memref_slice %arg9[%dma_start3A_98] : memref<512xi32, #tpu.memory_space<vmem>> -> memref<64xi32, #tpu.memory_space<vmem>>
    %dma_start3A_100 = arith.constant 0 : i32
    %dma_start3A_101 = arith.constant 0 : i32
    %dma_start3A_102 = tpu.memref_slice %arg5[%dma_start3A_100, %dma_start3A_101] : memref<1000000x128xf32, #tpu.memory_space<hbm>> -> memref<1000000x128xf32, #tpu.memory_space<hbm>>
    %dma_start3A_103 = tpu.memref_slice %arg17[%dma_start3A_93] : memref<4x!tpu.dma_semaphore, #tpu.memory_space<semaphore_mem>> -> memref<1x!tpu.dma_semaphore, #tpu.memory_space<semaphore_mem>>
    %dma_start3A_104 = tpu.memref_squeeze %dma_start3A_103 : memref<1x!tpu.dma_semaphore, #tpu.memory_space<semaphore_mem>> -> memref<!tpu.dma_semaphore, #tpu.memory_space<semaphore_mem>>
    tpu.enqueue_indirect_dma source(%dma_start3A_102 : memref<1000000x128xf32, #tpu.memory_space<hbm>>) target(%dma_start3A_97 : memref<64x128xf32, #tpu.memory_space<vmem>>) offsets(%dma_start3A_99 : memref<64xi32, #tpu.memory_space<vmem>>) semaphore(%dma_start3A_104 : memref<!tpu.dma_semaphore, #tpu.memory_space<semaphore_mem>>)
    %dma_start3A_105 = arith.constant 2 : i32
    %dma_start3A_106 = arith.constant 2 : i32
    %dma_start3A_107 = arith.constant 0 : i32
    %dma_start3A_108 = arith.constant 0 : i32
    %dma_start3A_109 = tpu.memref_slice %arg13[%dma_start3A_105, %dma_start3A_107, %dma_start3A_108] : memref<4x64x128xf32, #tpu.memory_space<vmem>> -> memref<1x64x128xf32, #tpu.memory_space<vmem>>
    %dma_start3A_110 = tpu.memref_squeeze %dma_start3A_109 : memref<1x64x128xf32, #tpu.memory_space<vmem>> -> memref<64x128xf32, #tpu.memory_space<vmem>>
    %dma_start3A_111 = arith.constant 128 : i32
    %dma_start3A_112 = tpu.memref_slice %arg10[%dma_start3A_111] : memref<512xi32, #tpu.memory_space<vmem>> -> memref<64xi32, #tpu.memory_space<vmem>>
    %dma_start3A_113 = arith.constant 0 : i32
    %dma_start3A_114 = arith.constant 0 : i32
    %dma_start3A_115 = tpu.memref_slice %arg6[%dma_start3A_113, %dma_start3A_114] : memref<1000000x128xf32, #tpu.memory_space<hbm>> -> memref<1000000x128xf32, #tpu.memory_space<hbm>>
    %dma_start3A_116 = tpu.memref_slice %arg17[%dma_start3A_106] : memref<4x!tpu.dma_semaphore, #tpu.memory_space<semaphore_mem>> -> memref<1x!tpu.dma_semaphore, #tpu.memory_space<semaphore_mem>>
    %dma_start3A_117 = tpu.memref_squeeze %dma_start3A_116 : memref<1x!tpu.dma_semaphore, #tpu.memory_space<semaphore_mem>> -> memref<!tpu.dma_semaphore, #tpu.memory_space<semaphore_mem>>
    tpu.enqueue_indirect_dma source(%dma_start3A_115 : memref<1000000x128xf32, #tpu.memory_space<hbm>>) target(%dma_start3A_110 : memref<64x128xf32, #tpu.memory_space<vmem>>) offsets(%dma_start3A_112 : memref<64xi32, #tpu.memory_space<vmem>>) semaphore(%dma_start3A_117 : memref<!tpu.dma_semaphore, #tpu.memory_space<semaphore_mem>>)
    %dma_start3A_118 = arith.constant 2 : i32
    %dma_start3A_119 = arith.constant 2 : i32
    %dma_start3A_120 = arith.constant 0 : i32
    %dma_start3A_121 = arith.constant 0 : i32
    %dma_start3A_122 = tpu.memref_slice %arg14[%dma_start3A_118, %dma_start3A_120, %dma_start3A_121] : memref<4x64x128xf32, #tpu.memory_space<vmem>> -> memref<1x64x128xf32, #tpu.memory_space<vmem>>
    %dma_start3A_123 = tpu.memref_squeeze %dma_start3A_122 : memref<1x64x128xf32, #tpu.memory_space<vmem>> -> memref<64x128xf32, #tpu.memory_space<vmem>>
    %dma_start3A_124 = arith.constant 128 : i32
    %dma_start3A_125 = tpu.memref_slice %arg11[%dma_start3A_124] : memref<512xi32, #tpu.memory_space<vmem>> -> memref<64xi32, #tpu.memory_space<vmem>>
    %dma_start3A_126 = arith.constant 0 : i32
    %dma_start3A_127 = arith.constant 0 : i32
    %dma_start3A_128 = tpu.memref_slice %arg6[%dma_start3A_126, %dma_start3A_127] : memref<1000000x128xf32, #tpu.memory_space<hbm>> -> memref<1000000x128xf32, #tpu.memory_space<hbm>>
    %dma_start3A_129 = tpu.memref_slice %arg17[%dma_start3A_119] : memref<4x!tpu.dma_semaphore, #tpu.memory_space<semaphore_mem>> -> memref<1x!tpu.dma_semaphore, #tpu.memory_space<semaphore_mem>>
    %dma_start3A_130 = tpu.memref_squeeze %dma_start3A_129 : memref<1x!tpu.dma_semaphore, #tpu.memory_space<semaphore_mem>> -> memref<!tpu.dma_semaphore, #tpu.memory_space<semaphore_mem>>
    tpu.enqueue_indirect_dma source(%dma_start3A_128 : memref<1000000x128xf32, #tpu.memory_space<hbm>>) target(%dma_start3A_123 : memref<64x128xf32, #tpu.memory_space<vmem>>) offsets(%dma_start3A_125 : memref<64xi32, #tpu.memory_space<vmem>>) semaphore(%dma_start3A_130 : memref<!tpu.dma_semaphore, #tpu.memory_space<semaphore_mem>>)
    %scan3A = arith.constant 0 : i32
    %scan3A_131 = arith.constant 0 : i32
    %scan3A_132 = arith.constant 2 : i32
    %scan3A_133 = arith.addi %scan3A_131, %scan3A_132 : i32
    %scan3A_134 = arith.constant 1 : i32
    %scan3A_135 = scf.for %scan3A_145 = %scan3A_131 to %scan3A_133 step %scan3A_134 iter_args(%scan3A_146 = %scan3A) -> (i32)  : i32 {
      %mul3A_147 = arith.constant 4 : i32
      %mul3A_148 = arith.muli %scan3A_145, %mul3A_147 : i32
      %add3A_149 = arith.constant 0 : i32
      %add3A_150 = arith.addi %mul3A_148, %add3A_149 : i32
      %add3A_151 = arith.constant 4 : i32
      %add3A_152 = arith.addi %add3A_150, %add3A_151 : i32
      %sub3A = arith.constant 1 : i32
      %sub3A_153 = arith.subi %add3A_152, %sub3A : i32
      %lt3A = arith.constant 8 : i32
      %lt3A_154 = arith.cmpi slt, %sub3A_153, %lt3A : i32
      %convert_element_type3A = arith.extui %lt3A_154 : i1 to i32
      %cond3A = arith.constant 0 : i32
      %cond3A_155 = arith.cmpi ne, %convert_element_type3A, %cond3A : i32
      scf.if %cond3A_155 {
        %jit3A = arith.constant 4 : i32
        %eq3A = arith.constant 0 : i32
        %eq3A_396 = arith.cmpi eq, %jit3A, %eq3A : i32
        %jit3A_397 = arith.constant 1 : i32
        %select_n3A = arith.select %eq3A_396, %jit3A_397, %jit3A : i32
        %rem3A = arith.remsi %sub3A_153, %select_n3A : i32
        %ne3A = arith.constant 0 : i32
        %ne3A_398 = arith.cmpi ne, %rem3A, %ne3A : i32
        %lt3A_399 = arith.constant 0 : i32
        %lt3A_400 = arith.cmpi slt, %rem3A, %lt3A_399 : i32
        %lt3A_401 = arith.constant 0 : i32
        %lt3A_402 = arith.cmpi slt, %select_n3A, %lt3A_401 : i32
        %ne3A_403 = arith.xori %lt3A_400, %lt3A_402 : i1
        %and3A = arith.andi %ne3A_403, %ne3A_398 : i1
        %add3A_404 = arith.addi %rem3A, %select_n3A : i32
        %select_n3A_405 = arith.select %and3A, %add3A_404, %rem3A : i32
        %mul3A_406 = arith.constant 64 : i32
        %mul3A_407 = arith.muli %sub3A_153, %mul3A_406 : i32
        %dma_start3A_408 = arith.constant 0 : i32
        %dma_start3A_409 = arith.constant 0 : i32
        %dma_start3A_410 = tpu.memref_slice %arg12[%select_n3A_405, %dma_start3A_408, %dma_start3A_409] : memref<4x64x128xf32, #tpu.memory_space<vmem>> -> memref<1x64x128xf32, #tpu.memory_space<vmem>>
        %dma_start3A_411 = tpu.memref_squeeze %dma_start3A_410 : memref<1x64x128xf32, #tpu.memory_space<vmem>> -> memref<64x128xf32, #tpu.memory_space<vmem>>
        %dma_start3A_412 = tpu.memref_slice %arg9[%mul3A_407] : memref<512xi32, #tpu.memory_space<vmem>> -> memref<64xi32, #tpu.memory_space<vmem>>
        %dma_start3A_413 = arith.constant 0 : i32
        %dma_start3A_414 = arith.constant 0 : i32
        %dma_start3A_415 = tpu.memref_slice %arg5[%dma_start3A_413, %dma_start3A_414] : memref<1000000x128xf32, #tpu.memory_space<hbm>> -> memref<1000000x128xf32, #tpu.memory_space<hbm>>
        %dma_start3A_416 = tpu.memref_slice %arg17[%select_n3A_405] : memref<4x!tpu.dma_semaphore, #tpu.memory_space<semaphore_mem>> -> memref<1x!tpu.dma_semaphore, #tpu.memory_space<semaphore_mem>>
        %dma_start3A_417 = tpu.memref_squeeze %dma_start3A_416 : memref<1x!tpu.dma_semaphore, #tpu.memory_space<semaphore_mem>> -> memref<!tpu.dma_semaphore, #tpu.memory_space<semaphore_mem>>
        tpu.enqueue_indirect_dma source(%dma_start3A_415 : memref<1000000x128xf32, #tpu.memory_space<hbm>>) target(%dma_start3A_411 : memref<64x128xf32, #tpu.memory_space<vmem>>) offsets(%dma_start3A_412 : memref<64xi32, #tpu.memory_space<vmem>>) semaphore(%dma_start3A_417 : memref<!tpu.dma_semaphore, #tpu.memory_space<semaphore_mem>>)
        %dma_start3A_418 = arith.constant 0 : i32
        %dma_start3A_419 = arith.constant 0 : i32
        %dma_start3A_420 = tpu.memref_slice %arg13[%select_n3A_405, %dma_start3A_418, %dma_start3A_419] : memref<4x64x128xf32, #tpu.memory_space<vmem>> -> memref<1x64x128xf32, #tpu.memory_space<vmem>>
        %dma_start3A_421 = tpu.memref_squeeze %dma_start3A_420 : memref<1x64x128xf32, #tpu.memory_space<vmem>> -> memref<64x128xf32, #tpu.memory_space<vmem>>
        %dma_start3A_422 = tpu.memref_slice %arg10[%mul3A_407] : memref<512xi32, #tpu.memory_space<vmem>> -> memref<64xi32, #tpu.memory_space<vmem>>
        %dma_start3A_423 = arith.constant 0 : i32
        %dma_start3A_424 = arith.constant 0 : i32
        %dma_start3A_425 = tpu.memref_slice %arg6[%dma_start3A_423, %dma_start3A_424] : memref<1000000x128xf32, #tpu.memory_space<hbm>> -> memref<1000000x128xf32, #tpu.memory_space<hbm>>
        %dma_start3A_426 = tpu.memref_slice %arg17[%select_n3A_405] : memref<4x!tpu.dma_semaphore, #tpu.memory_space<semaphore_mem>> -> memref<1x!tpu.dma_semaphore, #tpu.memory_space<semaphore_mem>>
        %dma_start3A_427 = tpu.memref_squeeze %dma_start3A_426 : memref<1x!tpu.dma_semaphore, #tpu.memory_space<semaphore_mem>> -> memref<!tpu.dma_semaphore, #tpu.memory_space<semaphore_mem>>
        tpu.enqueue_indirect_dma source(%dma_start3A_425 : memref<1000000x128xf32, #tpu.memory_space<hbm>>) target(%dma_start3A_421 : memref<64x128xf32, #tpu.memory_space<vmem>>) offsets(%dma_start3A_422 : memref<64xi32, #tpu.memory_space<vmem>>) semaphore(%dma_start3A_427 : memref<!tpu.dma_semaphore, #tpu.memory_space<semaphore_mem>>)
        %dma_start3A_428 = arith.constant 0 : i32
        %dma_start3A_429 = arith.constant 0 : i32
        %dma_start3A_430 = tpu.memref_slice %arg14[%select_n3A_405, %dma_start3A_428, %dma_start3A_429] : memref<4x64x128xf32, #tpu.memory_space<vmem>> -> memref<1x64x128xf32, #tpu.memory_space<vmem>>
        %dma_start3A_431 = tpu.memref_squeeze %dma_start3A_430 : memref<1x64x128xf32, #tpu.memory_space<vmem>> -> memref<64x128xf32, #tpu.memory_space<vmem>>
        %dma_start3A_432 = tpu.memref_slice %arg11[%mul3A_407] : memref<512xi32, #tpu.memory_space<vmem>> -> memref<64xi32, #tpu.memory_space<vmem>>
        %dma_start3A_433 = arith.constant 0 : i32
        %dma_start3A_434 = arith.constant 0 : i32
        %dma_start3A_435 = tpu.memref_slice %arg6[%dma_start3A_433, %dma_start3A_434] : memref<1000000x128xf32, #tpu.memory_space<hbm>> -> memref<1000000x128xf32, #tpu.memory_space<hbm>>
        %dma_start3A_436 = tpu.memref_slice %arg17[%select_n3A_405] : memref<4x!tpu.dma_semaphore, #tpu.memory_space<semaphore_mem>> -> memref<1x!tpu.dma_semaphore, #tpu.memory_space<semaphore_mem>>
        %dma_start3A_437 = tpu.memref_squeeze %dma_start3A_436 : memref<1x!tpu.dma_semaphore, #tpu.memory_space<semaphore_mem>> -> memref<!tpu.dma_semaphore, #tpu.memory_space<semaphore_mem>>
        tpu.enqueue_indirect_dma source(%dma_start3A_435 : memref<1000000x128xf32, #tpu.memory_space<hbm>>) target(%dma_start3A_431 : memref<64x128xf32, #tpu.memory_space<vmem>>) offsets(%dma_start3A_432 : memref<64xi32, #tpu.memory_space<vmem>>) semaphore(%dma_start3A_437 : memref<!tpu.dma_semaphore, #tpu.memory_space<semaphore_mem>>)
      } else {
      }
      %mul3A_156 = arith.constant 64 : i32
      %mul3A_157 = arith.muli %add3A_150, %mul3A_156 : i32
      %dma_wait3A_158 = arith.constant 0 : i32
      %dma_wait3A_159 = arith.constant 0 : i32
      %dma_wait3A_160 = arith.constant 0 : i32
      %dma_wait3A_161 = arith.constant 0 : i32
      %dma_wait3A_162 = tpu.memref_slice %arg12[%dma_wait3A_158, %dma_wait3A_160, %dma_wait3A_161] : memref<4x64x128xf32, #tpu.memory_space<vmem>> -> memref<1x64x128xf32, #tpu.memory_space<vmem>>
      %dma_wait3A_163 = tpu.memref_squeeze %dma_wait3A_162 : memref<1x64x128xf32, #tpu.memory_space<vmem>> -> memref<64x128xf32, #tpu.memory_space<vmem>>
      %dma_wait3A_164 = tpu.memref_slice %arg9[%mul3A_157] : memref<512xi32, #tpu.memory_space<vmem>> -> memref<64xi32, #tpu.memory_space<vmem>>
      %dma_wait3A_165 = arith.constant 0 : i32
      %dma_wait3A_166 = arith.constant 0 : i32
      %dma_wait3A_167 = tpu.memref_slice %arg5[%dma_wait3A_165, %dma_wait3A_166] : memref<1000000x128xf32, #tpu.memory_space<hbm>> -> memref<1000000x128xf32, #tpu.memory_space<hbm>>
      %dma_wait3A_168 = tpu.memref_slice %arg17[%dma_wait3A_159] : memref<4x!tpu.dma_semaphore, #tpu.memory_space<semaphore_mem>> -> memref<1x!tpu.dma_semaphore, #tpu.memory_space<semaphore_mem>>
      %dma_wait3A_169 = tpu.memref_squeeze %dma_wait3A_168 : memref<1x!tpu.dma_semaphore, #tpu.memory_space<semaphore_mem>> -> memref<!tpu.dma_semaphore, #tpu.memory_space<semaphore_mem>>
      tpu.wait_indirect_dma semaphore(%dma_wait3A_169 : memref<!tpu.dma_semaphore, #tpu.memory_space<semaphore_mem>>) src(%dma_wait3A_167 : memref<1000000x128xf32, #tpu.memory_space<hbm>>) dst(%dma_wait3A_163 : memref<64x128xf32, #tpu.memory_space<vmem>>)
      %dma_wait3A_170 = arith.constant 0 : i32
      %dma_wait3A_171 = arith.constant 0 : i32
      %dma_wait3A_172 = arith.constant 0 : i32
      %dma_wait3A_173 = arith.constant 0 : i32
      %dma_wait3A_174 = tpu.memref_slice %arg13[%dma_wait3A_170, %dma_wait3A_172, %dma_wait3A_173] : memref<4x64x128xf32, #tpu.memory_space<vmem>> -> memref<1x64x128xf32, #tpu.memory_space<vmem>>
      %dma_wait3A_175 = tpu.memref_squeeze %dma_wait3A_174 : memref<1x64x128xf32, #tpu.memory_space<vmem>> -> memref<64x128xf32, #tpu.memory_space<vmem>>
      %dma_wait3A_176 = tpu.memref_slice %arg10[%mul3A_157] : memref<512xi32, #tpu.memory_space<vmem>> -> memref<64xi32, #tpu.memory_space<vmem>>
      %dma_wait3A_177 = arith.constant 0 : i32
      %dma_wait3A_178 = arith.constant 0 : i32
      %dma_wait3A_179 = tpu.memref_slice %arg6[%dma_wait3A_177, %dma_wait3A_178] : memref<1000000x128xf32, #tpu.memory_space<hbm>> -> memref<1000000x128xf32, #tpu.memory_space<hbm>>
      %dma_wait3A_180 = tpu.memref_slice %arg17[%dma_wait3A_171] : memref<4x!tpu.dma_semaphore, #tpu.memory_space<semaphore_mem>> -> memref<1x!tpu.dma_semaphore, #tpu.memory_space<semaphore_mem>>
      %dma_wait3A_181 = tpu.memref_squeeze %dma_wait3A_180 : memref<1x!tpu.dma_semaphore, #tpu.memory_space<semaphore_mem>> -> memref<!tpu.dma_semaphore, #tpu.memory_space<semaphore_mem>>
      tpu.wait_indirect_dma semaphore(%dma_wait3A_181 : memref<!tpu.dma_semaphore, #tpu.memory_space<semaphore_mem>>) src(%dma_wait3A_179 : memref<1000000x128xf32, #tpu.memory_space<hbm>>) dst(%dma_wait3A_175 : memref<64x128xf32, #tpu.memory_space<vmem>>)
      %dma_wait3A_182 = arith.constant 0 : i32
      %dma_wait3A_183 = arith.constant 0 : i32
      %dma_wait3A_184 = arith.constant 0 : i32
      %dma_wait3A_185 = arith.constant 0 : i32
      %dma_wait3A_186 = tpu.memref_slice %arg14[%dma_wait3A_182, %dma_wait3A_184, %dma_wait3A_185] : memref<4x64x128xf32, #tpu.memory_space<vmem>> -> memref<1x64x128xf32, #tpu.memory_space<vmem>>
      %dma_wait3A_187 = tpu.memref_squeeze %dma_wait3A_186 : memref<1x64x128xf32, #tpu.memory_space<vmem>> -> memref<64x128xf32, #tpu.memory_space<vmem>>
      %dma_wait3A_188 = tpu.memref_slice %arg11[%mul3A_157] : memref<512xi32, #tpu.memory_space<vmem>> -> memref<64xi32, #tpu.memory_space<vmem>>
      %dma_wait3A_189 = arith.constant 0 : i32
      %dma_wait3A_190 = arith.constant 0 : i32
      %dma_wait3A_191 = tpu.memref_slice %arg6[%dma_wait3A_189, %dma_wait3A_190] : memref<1000000x128xf32, #tpu.memory_space<hbm>> -> memref<1000000x128xf32, #tpu.memory_space<hbm>>
      %dma_wait3A_192 = tpu.memref_slice %arg17[%dma_wait3A_183] : memref<4x!tpu.dma_semaphore, #tpu.memory_space<semaphore_mem>> -> memref<1x!tpu.dma_semaphore, #tpu.memory_space<semaphore_mem>>
      %dma_wait3A_193 = tpu.memref_squeeze %dma_wait3A_192 : memref<1x!tpu.dma_semaphore, #tpu.memory_space<semaphore_mem>> -> memref<!tpu.dma_semaphore, #tpu.memory_space<semaphore_mem>>
      tpu.wait_indirect_dma semaphore(%dma_wait3A_193 : memref<!tpu.dma_semaphore, #tpu.memory_space<semaphore_mem>>) src(%dma_wait3A_191 : memref<1000000x128xf32, #tpu.memory_space<hbm>>) dst(%dma_wait3A_187 : memref<64x128xf32, #tpu.memory_space<vmem>>)
      %mul3A_194 = arith.constant 64 : i32
      %mul3A_195 = arith.muli %add3A_150, %mul3A_194 : i32
      %scan3A_196 = arith.constant 0 : i32
      %scan3A_197 = arith.constant 0 : i32
      %scan3A_198 = arith.constant 0 : i32
      %scan3A_199 = arith.constant 0 : i32
      %scan3A_200 = arith.constant 0 : i32
      %scan3A_201 = arith.constant 4 : i32
      %scan3A_202 = arith.addi %scan3A_200, %scan3A_201 : i32
      %scan3A_203 = arith.constant 1 : i32
      %scan3A_204 = scf.for %scan3A_396 = %scan3A_200 to %scan3A_202 step %scan3A_203 iter_args(%scan3A_397 = %scan3A_199) -> (i32)  : i32 {
        %mul3A_398 = arith.constant 16 : i32
        %mul3A_399 = arith.muli %scan3A_396, %mul3A_398 : i32
        %add3A_400 = vector.broadcast %mul3A_399 : i32 to vector<16xi32>
        %add3A_401 = arith.addi %add3A_400, %iota3A : vector<16xi32>
        %scan3A_402 = arith.constant 0 : i32
        %scan3A_403 = arith.constant 64 : i32
        %scan3A_404 = arith.addi %scan3A_402, %scan3A_403 : i32
        %scan3A_405 = arith.constant 2 : i32
        %scan3A_406:5 = scf.for %scan3A_417 = %scan3A_402 to %scan3A_404 step %scan3A_405 iter_args(%scan3A_418 = %iota3A, %scan3A_419 = %broadcast_in_dim3A_13, %scan3A_420 = %broadcast_in_dim3A_13, %scan3A_421 = %broadcast_in_dim3A_13, %scan3A_422 = %broadcast_in_dim3A_13) -> (vector<16xi32>, vector<16xf32>, vector<16xf32>, vector<16xf32>, vector<16xf32>)  : i32 {
          %gather3A = arith.constant 0 : i32
          %gather3A_423 = arith.constant 0 : i32
          %gather3A_424 = tpu.memref_slice %arg12[%scan3A_196, %gather3A, %gather3A_423] : memref<4x64x128xf32, #tpu.memory_space<vmem>> -> memref<1x64x128xf32, #tpu.memory_space<vmem>>
          %gather3A_425 = tpu.memref_squeeze %gather3A_424 : memref<1x64x128xf32, #tpu.memory_space<vmem>> -> memref<64x128xf32, #tpu.memory_space<vmem>>
          %gather3A_426 = tpu.vector_load_idx %gather3A_425[%add3A_401, %scan3A_418] : memref<64x128xf32, #tpu.memory_space<vmem>>[vector<16xi32>, vector<16xi32>], vector<16xf32>,
          %gather3A_427 = arith.constant 0 : i32
          %gather3A_428 = arith.constant 0 : i32
          %gather3A_429 = tpu.memref_slice %arg13[%scan3A_197, %gather3A_427, %gather3A_428] : memref<4x64x128xf32, #tpu.memory_space<vmem>> -> memref<1x64x128xf32, #tpu.memory_space<vmem>>
          %gather3A_430 = tpu.memref_squeeze %gather3A_429 : memref<1x64x128xf32, #tpu.memory_space<vmem>> -> memref<64x128xf32, #tpu.memory_space<vmem>>
          %gather3A_431 = tpu.vector_load_idx %gather3A_430[%add3A_401, %scan3A_418] : memref<64x128xf32, #tpu.memory_space<vmem>>[vector<16xi32>, vector<16xi32>], vector<16xf32>,
          %gather3A_432 = arith.constant 0 : i32
          %gather3A_433 = arith.constant 0 : i32
          %gather3A_434 = tpu.memref_slice %arg14[%scan3A_198, %gather3A_432, %gather3A_433] : memref<4x64x128xf32, #tpu.memory_space<vmem>> -> memref<1x64x128xf32, #tpu.memory_space<vmem>>
          %gather3A_435 = tpu.memref_squeeze %gather3A_434 : memref<1x64x128xf32, #tpu.memory_space<vmem>> -> memref<64x128xf32, #tpu.memory_space<vmem>>
          %gather3A_436 = tpu.vector_load_idx %gather3A_435[%add3A_401, %scan3A_418] : memref<64x128xf32, #tpu.memory_space<vmem>>[vector<16xi32>, vector<16xi32>], vector<16xf32>,
          %add3A_437 = arith.constant 1 : i32
          %add3A_438 = vector.broadcast %add3A_437 : i32 to vector<16xi32>
          %add3A_439 = arith.addi %scan3A_418, %add3A_438 : vector<16xi32>
          %and3A = arith.constant 127 : i32
          %and3A_440 = vector.broadcast %and3A : i32 to vector<16xi32>
          %and3A_441 = arith.andi %add3A_439, %and3A_440 : vector<16xi32>
          %gather3A_442 = arith.constant 0 : i32
          %gather3A_443 = arith.constant 0 : i32
          %gather3A_444 = tpu.memref_slice %arg12[%scan3A_196, %gather3A_442, %gather3A_443] : memref<4x64x128xf32, #tpu.memory_space<vmem>> -> memref<1x64x128xf32, #tpu.memory_space<vmem>>
          %gather3A_445 = tpu.memref_squeeze %gather3A_444 : memref<1x64x128xf32, #tpu.memory_space<vmem>> -> memref<64x128xf32, #tpu.memory_space<vmem>>
          %gather3A_446 = tpu.vector_load_idx %gather3A_445[%add3A_401, %and3A_441] : memref<64x128xf32, #tpu.memory_space<vmem>>[vector<16xi32>, vector<16xi32>], vector<16xf32>,
          %gather3A_447 = arith.constant 0 : i32
          %gather3A_448 = arith.constant 0 : i32
          %gather3A_449 = tpu.memref_slice %arg13[%scan3A_197, %gather3A_447, %gather3A_448] : memref<4x64x128xf32, #tpu.memory_space<vmem>> -> memref<1x64x128xf32, #tpu.memory_space<vmem>>
          %gather3A_450 = tpu.memref_squeeze %gather3A_449 : memref<1x64x128xf32, #tpu.memory_space<vmem>> -> memref<64x128xf32, #tpu.memory_space<vmem>>
          %gather3A_451 = tpu.vector_load_idx %gather3A_450[%add3A_401, %and3A_441] : memref<64x128xf32, #tpu.memory_space<vmem>>[vector<16xi32>, vector<16xi32>], vector<16xf32>,
          %gather3A_452 = arith.constant 0 : i32
          %gather3A_453 = arith.constant 0 : i32
          %gather3A_454 = tpu.memref_slice %arg14[%scan3A_198, %gather3A_452, %gather3A_453] : memref<4x64x128xf32, #tpu.memory_space<vmem>> -> memref<1x64x128xf32, #tpu.memory_space<vmem>>
          %gather3A_455 = tpu.memref_squeeze %gather3A_454 : memref<1x64x128xf32, #tpu.memory_space<vmem>> -> memref<64x128xf32, #tpu.memory_space<vmem>>
          %gather3A_456 = tpu.vector_load_idx %gather3A_455[%add3A_401, %and3A_441] : memref<64x128xf32, #tpu.memory_space<vmem>>[vector<16xi32>, vector<16xi32>], vector<16xf32>,
          %add3A_457 = arith.constant 1 : i32
          %add3A_458 = vector.broadcast %add3A_457 : i32 to vector<16xi32>
          %add3A_459 = arith.addi %and3A_441, %add3A_458 : vector<16xi32>
          %and3A_460 = arith.constant 127 : i32
          %and3A_461 = vector.broadcast %and3A_460 : i32 to vector<16xi32>
          %and3A_462 = arith.andi %add3A_459, %and3A_461 : vector<16xi32>
          %mul3A_463 = arith.mulf %gather3A_426, %gather3A_431 : vector<16xf32>
          %add3A_464 = arith.addf %scan3A_419, %mul3A_463 : vector<16xf32>
          %mul3A_465 = arith.mulf %gather3A_446, %gather3A_451 : vector<16xf32>
          %add3A_466 = arith.addf %scan3A_420, %mul3A_465 : vector<16xf32>
          %mul3A_467 = arith.mulf %gather3A_426, %gather3A_436 : vector<16xf32>
          %add3A_468 = arith.addf %scan3A_421, %mul3A_467 : vector<16xf32>
          %mul3A_469 = arith.mulf %gather3A_446, %gather3A_456 : vector<16xf32>
          %add3A_470 = arith.addf %scan3A_422, %mul3A_469 : vector<16xf32>
          %scan3A_471 = arith.constant 1 : i32
          %scan3A_472 = arith.addi %scan3A_417, %scan3A_471 : i32
          %gather3A_473 = arith.constant 0 : i32
          %gather3A_474 = arith.constant 0 : i32
          %gather3A_475 = tpu.memref_slice %arg12[%scan3A_196, %gather3A_473, %gather3A_474] : memref<4x64x128xf32, #tpu.memory_space<vmem>> -> memref<1x64x128xf32, #tpu.memory_space<vmem>>
          %gather3A_476 = tpu.memref_squeeze %gather3A_475 : memref<1x64x128xf32, #tpu.memory_space<vmem>> -> memref<64x128xf32, #tpu.memory_space<vmem>>
          %gather3A_477 = tpu.vector_load_idx %gather3A_476[%add3A_401, %and3A_462] : memref<64x128xf32, #tpu.memory_space<vmem>>[vector<16xi32>, vector<16xi32>], vector<16xf32>,
          %gather3A_478 = arith.constant 0 : i32
          %gather3A_479 = arith.constant 0 : i32
          %gather3A_480 = tpu.memref_slice %arg13[%scan3A_197, %gather3A_478, %gather3A_479] : memref<4x64x128xf32, #tpu.memory_space<vmem>> -> memref<1x64x128xf32, #tpu.memory_space<vmem>>
          %gather3A_481 = tpu.memref_squeeze %gather3A_480 : memref<1x64x128xf32, #tpu.memory_space<vmem>> -> memref<64x128xf32, #tpu.memory_space<vmem>>
          %gather3A_482 = tpu.vector_load_idx %gather3A_481[%add3A_401, %and3A_462] : memref<64x128xf32, #tpu.memory_space<vmem>>[vector<16xi32>, vector<16xi32>], vector<16xf32>,
          %gather3A_483 = arith.constant 0 : i32
          %gather3A_484 = arith.constant 0 : i32
          %gather3A_485 = tpu.memref_slice %arg14[%scan3A_198, %gather3A_483, %gather3A_484] : memref<4x64x128xf32, #tpu.memory_space<vmem>> -> memref<1x64x128xf32, #tpu.memory_space<vmem>>
          %gather3A_486 = tpu.memref_squeeze %gather3A_485 : memref<1x64x128xf32, #tpu.memory_space<vmem>> -> memref<64x128xf32, #tpu.memory_space<vmem>>
          %gather3A_487 = tpu.vector_load_idx %gather3A_486[%add3A_401, %and3A_462] : memref<64x128xf32, #tpu.memory_space<vmem>>[vector<16xi32>, vector<16xi32>], vector<16xf32>,
          %add3A_488 = arith.constant 1 : i32
          %add3A_489 = vector.broadcast %add3A_488 : i32 to vector<16xi32>
          %add3A_490 = arith.addi %and3A_462, %add3A_489 : vector<16xi32>
          %and3A_491 = arith.constant 127 : i32
          %and3A_492 = vector.broadcast %and3A_491 : i32 to vector<16xi32>
          %and3A_493 = arith.andi %add3A_490, %and3A_492 : vector<16xi32>
          %gather3A_494 = arith.constant 0 : i32
          %gather3A_495 = arith.constant 0 : i32
          %gather3A_496 = tpu.memref_slice %arg12[%scan3A_196, %gather3A_494, %gather3A_495] : memref<4x64x128xf32, #tpu.memory_space<vmem>> -> memref<1x64x128xf32, #tpu.memory_space<vmem>>
          %gather3A_497 = tpu.memref_squeeze %gather3A_496 : memref<1x64x128xf32, #tpu.memory_space<vmem>> -> memref<64x128xf32, #tpu.memory_space<vmem>>
          %gather3A_498 = tpu.vector_load_idx %gather3A_497[%add3A_401, %and3A_493] : memref<64x128xf32, #tpu.memory_space<vmem>>[vector<16xi32>, vector<16xi32>], vector<16xf32>,
          %gather3A_499 = arith.constant 0 : i32
          %gather3A_500 = arith.constant 0 : i32
          %gather3A_501 = tpu.memref_slice %arg13[%scan3A_197, %gather3A_499, %gather3A_500] : memref<4x64x128xf32, #tpu.memory_space<vmem>> -> memref<1x64x128xf32, #tpu.memory_space<vmem>>
          %gather3A_502 = tpu.memref_squeeze %gather3A_501 : memref<1x64x128xf32, #tpu.memory_space<vmem>> -> memref<64x128xf32, #tpu.memory_space<vmem>>
          %gather3A_503 = tpu.vector_load_idx %gather3A_502[%add3A_401, %and3A_493] : memref<64x128xf32, #tpu.memory_space<vmem>>[vector<16xi32>, vector<16xi32>], vector<16xf32>,
          %gather3A_504 = arith.constant 0 : i32
          %gather3A_505 = arith.constant 0 : i32
          %gather3A_506 = tpu.memref_slice %arg14[%scan3A_198, %gather3A_504, %gather3A_505] : memref<4x64x128xf32, #tpu.memory_space<vmem>> -> memref<1x64x128xf32, #tpu.memory_space<vmem>>
          %gather3A_507 = tpu.memref_squeeze %gather3A_506 : memref<1x64x128xf32, #tpu.memory_space<vmem>> -> memref<64x128xf32, #tpu.memory_space<vmem>>
          %gather3A_508 = tpu.vector_load_idx %gather3A_507[%add3A_401, %and3A_493] : memref<64x128xf32, #tpu.memory_space<vmem>>[vector<16xi32>, vector<16xi32>], vector<16xf32>,
          %add3A_509 = arith.constant 1 : i32
          %add3A_510 = vector.broadcast %add3A_509 : i32 to vector<16xi32>
          %add3A_511 = arith.addi %and3A_493, %add3A_510 : vector<16xi32>
          %and3A_512 = arith.constant 127 : i32
          %and3A_513 = vector.broadcast %and3A_512 : i32 to vector<16xi32>
          %and3A_514 = arith.andi %add3A_511, %and3A_513 : vector<16xi32>
          %mul3A_515 = arith.mulf %gather3A_477, %gather3A_482 : vector<16xf32>
          %add3A_516 = arith.addf %add3A_464, %mul3A_515 : vector<16xf32>
          %mul3A_517 = arith.mulf %gather3A_498, %gather3A_503 : vector<16xf32>
          %add3A_518 = arith.addf %add3A_466, %mul3A_517 : vector<16xf32>
          %mul3A_519 = arith.mulf %gather3A_477, %gather3A_487 : vector<16xf32>
          %add3A_520 = arith.addf %add3A_468, %mul3A_519 : vector<16xf32>
          %mul3A_521 = arith.mulf %gather3A_498, %gather3A_508 : vector<16xf32>
          %add3A_522 = arith.addf %add3A_470, %mul3A_521 : vector<16xf32>
          scf.yield %and3A_514, %add3A_516, %add3A_518, %add3A_520, %add3A_522 : vector<16xi32>, vector<16xf32>, vector<16xf32>, vector<16xf32>, vector<16xf32>
        }
        %scan3A_407 = arith.constant 64 : i32
        %mul3A_408 = arith.constant 16 : i32
        %mul3A_409 = arith.muli %scan3A_396, %mul3A_408 : i32
        %add3A_410 = arith.addi %mul3A_195, %mul3A_409 : i32
        %add3A_411 = arith.addf %scan3A_406#1, %scan3A_406#2 : vector<16xf32>
        %swap3A = arith.index_cast %add3A_410 : i32 to index
        %swap3A_412 = tpu.vector_load %arg15[%swap3A] {strides = array<i32>} : memref<512xf32, #tpu.memory_space<vmem>>, vector<16xf32>,
        tpu.vector_store %arg15[%swap3A], %add3A_411 {strides = array<i32>} : memref<512xf32, #tpu.memory_space<vmem>>, vector<16xf32>,
        %add3A_413 = arith.addf %scan3A_406#3, %scan3A_406#4 : vector<16xf32>
        %swap3A_414 = arith.index_cast %add3A_410 : i32 to index
        %swap3A_415 = tpu.vector_load %arg16[%swap3A_414] {strides = array<i32>} : memref<512xf32, #tpu.memory_space<vmem>>, vector<16xf32>,
        tpu.vector_store %arg16[%swap3A_414], %add3A_413 {strides = array<i32>} : memref<512xf32, #tpu.memory_space<vmem>>, vector<16xf32>,
        %scan3A_416 = arith.constant 0 : i32
        scf.yield %scan3A_416 : i32
      }
      %scan3A_205 = arith.constant 4 : i32
      %mul3A_206 = arith.constant 4 : i32
      %mul3A_207 = arith.muli %scan3A_145, %mul3A_206 : i32
      %add3A_208 = arith.constant 1 : i32
      %add3A_209 = arith.addi %mul3A_207, %add3A_208 : i32
      %add3A_210 = arith.constant 4 : i32
      %add3A_211 = arith.addi %add3A_209, %add3A_210 : i32
      %sub3A_212 = arith.constant 1 : i32
      %sub3A_213 = arith.subi %add3A_211, %sub3A_212 : i32
      %lt3A_214 = arith.constant 8 : i32
      %lt3A_215 = arith.cmpi slt, %sub3A_213, %lt3A_214 : i32
      %convert_element_type3A_216 = arith.extui %lt3A_215 : i1 to i32
      %cond3A_217 = arith.constant 0 : i32
      %cond3A_218 = arith.cmpi ne, %convert_element_type3A_216, %cond3A_217 : i32
      scf.if %cond3A_218 {
        %jit3A = arith.constant 4 : i32
        %eq3A = arith.constant 0 : i32
        %eq3A_396 = arith.cmpi eq, %jit3A, %eq3A : i32
        %jit3A_397 = arith.constant 1 : i32
        %select_n3A = arith.select %eq3A_396, %jit3A_397, %jit3A : i32
        %rem3A = arith.remsi %sub3A_213, %select_n3A : i32
        %ne3A = arith.constant 0 : i32
        %ne3A_398 = arith.cmpi ne, %rem3A, %ne3A : i32
        %lt3A_399 = arith.constant 0 : i32
        %lt3A_400 = arith.cmpi slt, %rem3A, %lt3A_399 : i32
        %lt3A_401 = arith.constant 0 : i32
        %lt3A_402 = arith.cmpi slt, %select_n3A, %lt3A_401 : i32
        %ne3A_403 = arith.xori %lt3A_400, %lt3A_402 : i1
        %and3A = arith.andi %ne3A_403, %ne3A_398 : i1
        %add3A_404 = arith.addi %rem3A, %select_n3A : i32
        %select_n3A_405 = arith.select %and3A, %add3A_404, %rem3A : i32
        %mul3A_406 = arith.constant 64 : i32
        %mul3A_407 = arith.muli %sub3A_213, %mul3A_406 : i32
        %dma_start3A_408 = arith.constant 0 : i32
        %dma_start3A_409 = arith.constant 0 : i32
        %dma_start3A_410 = tpu.memref_slice %arg12[%select_n3A_405, %dma_start3A_408, %dma_start3A_409] : memref<4x64x128xf32, #tpu.memory_space<vmem>> -> memref<1x64x128xf32, #tpu.memory_space<vmem>>
        %dma_start3A_411 = tpu.memref_squeeze %dma_start3A_410 : memref<1x64x128xf32, #tpu.memory_space<vmem>> -> memref<64x128xf32, #tpu.memory_space<vmem>>
        %dma_start3A_412 = tpu.memref_slice %arg9[%mul3A_407] : memref<512xi32, #tpu.memory_space<vmem>> -> memref<64xi32, #tpu.memory_space<vmem>>
        %dma_start3A_413 = arith.constant 0 : i32
        %dma_start3A_414 = arith.constant 0 : i32
        %dma_start3A_415 = tpu.memref_slice %arg5[%dma_start3A_413, %dma_start3A_414] : memref<1000000x128xf32, #tpu.memory_space<hbm>> -> memref<1000000x128xf32, #tpu.memory_space<hbm>>
        %dma_start3A_416 = tpu.memref_slice %arg17[%select_n3A_405] : memref<4x!tpu.dma_semaphore, #tpu.memory_space<semaphore_mem>> -> memref<1x!tpu.dma_semaphore, #tpu.memory_space<semaphore_mem>>
        %dma_start3A_417 = tpu.memref_squeeze %dma_start3A_416 : memref<1x!tpu.dma_semaphore, #tpu.memory_space<semaphore_mem>> -> memref<!tpu.dma_semaphore, #tpu.memory_space<semaphore_mem>>
        tpu.enqueue_indirect_dma source(%dma_start3A_415 : memref<1000000x128xf32, #tpu.memory_space<hbm>>) target(%dma_start3A_411 : memref<64x128xf32, #tpu.memory_space<vmem>>) offsets(%dma_start3A_412 : memref<64xi32, #tpu.memory_space<vmem>>) semaphore(%dma_start3A_417 : memref<!tpu.dma_semaphore, #tpu.memory_space<semaphore_mem>>)
        %dma_start3A_418 = arith.constant 0 : i32
        %dma_start3A_419 = arith.constant 0 : i32
        %dma_start3A_420 = tpu.memref_slice %arg13[%select_n3A_405, %dma_start3A_418, %dma_start3A_419] : memref<4x64x128xf32, #tpu.memory_space<vmem>> -> memref<1x64x128xf32, #tpu.memory_space<vmem>>
        %dma_start3A_421 = tpu.memref_squeeze %dma_start3A_420 : memref<1x64x128xf32, #tpu.memory_space<vmem>> -> memref<64x128xf32, #tpu.memory_space<vmem>>
        %dma_start3A_422 = tpu.memref_slice %arg10[%mul3A_407] : memref<512xi32, #tpu.memory_space<vmem>> -> memref<64xi32, #tpu.memory_space<vmem>>
        %dma_start3A_423 = arith.constant 0 : i32
        %dma_start3A_424 = arith.constant 0 : i32
        %dma_start3A_425 = tpu.memref_slice %arg6[%dma_start3A_423, %dma_start3A_424] : memref<1000000x128xf32, #tpu.memory_space<hbm>> -> memref<1000000x128xf32, #tpu.memory_space<hbm>>
        %dma_start3A_426 = tpu.memref_slice %arg17[%select_n3A_405] : memref<4x!tpu.dma_semaphore, #tpu.memory_space<semaphore_mem>> -> memref<1x!tpu.dma_semaphore, #tpu.memory_space<semaphore_mem>>
        %dma_start3A_427 = tpu.memref_squeeze %dma_start3A_426 : memref<1x!tpu.dma_semaphore, #tpu.memory_space<semaphore_mem>> -> memref<!tpu.dma_semaphore, #tpu.memory_space<semaphore_mem>>
        tpu.enqueue_indirect_dma source(%dma_start3A_425 : memref<1000000x128xf32, #tpu.memory_space<hbm>>) target(%dma_start3A_421 : memref<64x128xf32, #tpu.memory_space<vmem>>) offsets(%dma_start3A_422 : memref<64xi32, #tpu.memory_space<vmem>>) semaphore(%dma_start3A_427 : memref<!tpu.dma_semaphore, #tpu.memory_space<semaphore_mem>>)
        %dma_start3A_428 = arith.constant 0 : i32
        %dma_start3A_429 = arith.constant 0 : i32
        %dma_start3A_430 = tpu.memref_slice %arg14[%select_n3A_405, %dma_start3A_428, %dma_start3A_429] : memref<4x64x128xf32, #tpu.memory_space<vmem>> -> memref<1x64x128xf32, #tpu.memory_space<vmem>>
        %dma_start3A_431 = tpu.memref_squeeze %dma_start3A_430 : memref<1x64x128xf32, #tpu.memory_space<vmem>> -> memref<64x128xf32, #tpu.memory_space<vmem>>
        %dma_start3A_432 = tpu.memref_slice %arg11[%mul3A_407] : memref<512xi32, #tpu.memory_space<vmem>> -> memref<64xi32, #tpu.memory_space<vmem>>
        %dma_start3A_433 = arith.constant 0 : i32
        %dma_start3A_434 = arith.constant 0 : i32
        %dma_start3A_435 = tpu.memref_slice %arg6[%dma_start3A_433, %dma_start3A_434] : memref<1000000x128xf32, #tpu.memory_space<hbm>> -> memref<1000000x128xf32, #tpu.memory_space<hbm>>
        %dma_start3A_436 = tpu.memref_slice %arg17[%select_n3A_405] : memref<4x!tpu.dma_semaphore, #tpu.memory_space<semaphore_mem>> -> memref<1x!tpu.dma_semaphore, #tpu.memory_space<semaphore_mem>>
        %dma_start3A_437 = tpu.memref_squeeze %dma_start3A_436 : memref<1x!tpu.dma_semaphore, #tpu.memory_space<semaphore_mem>> -> memref<!tpu.dma_semaphore, #tpu.memory_space<semaphore_mem>>
        tpu.enqueue_indirect_dma source(%dma_start3A_435 : memref<1000000x128xf32, #tpu.memory_space<hbm>>) target(%dma_start3A_431 : memref<64x128xf32, #tpu.memory_space<vmem>>) offsets(%dma_start3A_432 : memref<64xi32, #tpu.memory_space<vmem>>) semaphore(%dma_start3A_437 : memref<!tpu.dma_semaphore, #tpu.memory_space<semaphore_mem>>)
      } else {
      }
      %mul3A_219 = arith.constant 64 : i32
      %mul3A_220 = arith.muli %add3A_209, %mul3A_219 : i32
      %dma_wait3A_221 = arith.constant 1 : i32
      %dma_wait3A_222 = arith.constant 1 : i32
      %dma_wait3A_223 = arith.constant 0 : i32
      %dma_wait3A_224 = arith.constant 0 : i32
      %dma_wait3A_225 = tpu.memref_slice %arg12[%dma_wait3A_221, %dma_wait3A_223, %dma_wait3A_224] : memref<4x64x128xf32, #tpu.memory_space<vmem>> -> memref<1x64x128xf32, #tpu.memory_space<vmem>>
      %dma_wait3A_226 = tpu.memref_squeeze %dma_wait3A_225 : memref<1x64x128xf32, #tpu.memory_space<vmem>> -> memref<64x128xf32, #tpu.memory_space<vmem>>
      %dma_wait3A_227 = tpu.memref_slice %arg9[%mul3A_220] : memref<512xi32, #tpu.memory_space<vmem>> -> memref<64xi32, #tpu.memory_space<vmem>>
      %dma_wait3A_228 = arith.constant 0 : i32
      %dma_wait3A_229 = arith.constant 0 : i32
      %dma_wait3A_230 = tpu.memref_slice %arg5[%dma_wait3A_228, %dma_wait3A_229] : memref<1000000x128xf32, #tpu.memory_space<hbm>> -> memref<1000000x128xf32, #tpu.memory_space<hbm>>
      %dma_wait3A_231 = tpu.memref_slice %arg17[%dma_wait3A_222] : memref<4x!tpu.dma_semaphore, #tpu.memory_space<semaphore_mem>> -> memref<1x!tpu.dma_semaphore, #tpu.memory_space<semaphore_mem>>
      %dma_wait3A_232 = tpu.memref_squeeze %dma_wait3A_231 : memref<1x!tpu.dma_semaphore, #tpu.memory_space<semaphore_mem>> -> memref<!tpu.dma_semaphore, #tpu.memory_space<semaphore_mem>>
      tpu.wait_indirect_dma semaphore(%dma_wait3A_232 : memref<!tpu.dma_semaphore, #tpu.memory_space<semaphore_mem>>) src(%dma_wait3A_230 : memref<1000000x128xf32, #tpu.memory_space<hbm>>) dst(%dma_wait3A_226 : memref<64x128xf32, #tpu.memory_space<vmem>>)
      %dma_wait3A_233 = arith.constant 1 : i32
      %dma_wait3A_234 = arith.constant 1 : i32
      %dma_wait3A_235 = arith.constant 0 : i32
      %dma_wait3A_236 = arith.constant 0 : i32
      %dma_wait3A_237 = tpu.memref_slice %arg13[%dma_wait3A_233, %dma_wait3A_235, %dma_wait3A_236] : memref<4x64x128xf32, #tpu.memory_space<vmem>> -> memref<1x64x128xf32, #tpu.memory_space<vmem>>
      %dma_wait3A_238 = tpu.memref_squeeze %dma_wait3A_237 : memref<1x64x128xf32, #tpu.memory_space<vmem>> -> memref<64x128xf32, #tpu.memory_space<vmem>>
      %dma_wait3A_239 = tpu.memref_slice %arg10[%mul3A_220] : memref<512xi32, #tpu.memory_space<vmem>> -> memref<64xi32, #tpu.memory_space<vmem>>
      %dma_wait3A_240 = arith.constant 0 : i32
      %dma_wait3A_241 = arith.constant 0 : i32
      %dma_wait3A_242 = tpu.memref_slice %arg6[%dma_wait3A_240, %dma_wait3A_241] : memref<1000000x128xf32, #tpu.memory_space<hbm>> -> memref<1000000x128xf32, #tpu.memory_space<hbm>>
      %dma_wait3A_243 = tpu.memref_slice %arg17[%dma_wait3A_234] : memref<4x!tpu.dma_semaphore, #tpu.memory_space<semaphore_mem>> -> memref<1x!tpu.dma_semaphore, #tpu.memory_space<semaphore_mem>>
      %dma_wait3A_244 = tpu.memref_squeeze %dma_wait3A_243 : memref<1x!tpu.dma_semaphore, #tpu.memory_space<semaphore_mem>> -> memref<!tpu.dma_semaphore, #tpu.memory_space<semaphore_mem>>
      tpu.wait_indirect_dma semaphore(%dma_wait3A_244 : memref<!tpu.dma_semaphore, #tpu.memory_space<semaphore_mem>>) src(%dma_wait3A_242 : memref<1000000x128xf32, #tpu.memory_space<hbm>>) dst(%dma_wait3A_238 : memref<64x128xf32, #tpu.memory_space<vmem>>)
      %dma_wait3A_245 = arith.constant 1 : i32
      %dma_wait3A_246 = arith.constant 1 : i32
      %dma_wait3A_247 = arith.constant 0 : i32
      %dma_wait3A_248 = arith.constant 0 : i32
      %dma_wait3A_249 = tpu.memref_slice %arg14[%dma_wait3A_245, %dma_wait3A_247, %dma_wait3A_248] : memref<4x64x128xf32, #tpu.memory_space<vmem>> -> memref<1x64x128xf32, #tpu.memory_space<vmem>>
      %dma_wait3A_250 = tpu.memref_squeeze %dma_wait3A_249 : memref<1x64x128xf32, #tpu.memory_space<vmem>> -> memref<64x128xf32, #tpu.memory_space<vmem>>
      %dma_wait3A_251 = tpu.memref_slice %arg11[%mul3A_220] : memref<512xi32, #tpu.memory_space<vmem>> -> memref<64xi32, #tpu.memory_space<vmem>>
      %dma_wait3A_252 = arith.constant 0 : i32
      %dma_wait3A_253 = arith.constant 0 : i32
      %dma_wait3A_254 = tpu.memref_slice %arg6[%dma_wait3A_252, %dma_wait3A_253] : memref<1000000x128xf32, #tpu.memory_space<hbm>> -> memref<1000000x128xf32, #tpu.memory_space<hbm>>
      %dma_wait3A_255 = tpu.memref_slice %arg17[%dma_wait3A_246] : memref<4x!tpu.dma_semaphore, #tpu.memory_space<semaphore_mem>> -> memref<1x!tpu.dma_semaphore, #tpu.memory_space<semaphore_mem>>
      %dma_wait3A_256 = tpu.memref_squeeze %dma_wait3A_255 : memref<1x!tpu.dma_semaphore, #tpu.memory_space<semaphore_mem>> -> memref<!tpu.dma_semaphore, #tpu.memory_space<semaphore_mem>>
      tpu.wait_indirect_dma semaphore(%dma_wait3A_256 : memref<!tpu.dma_semaphore, #tpu.memory_space<semaphore_mem>>) src(%dma_wait3A_254 : memref<1000000x128xf32, #tpu.memory_space<hbm>>) dst(%dma_wait3A_250 : memref<64x128xf32, #tpu.memory_space<vmem>>)
      %mul3A_257 = arith.constant 64 : i32
      %mul3A_258 = arith.muli %add3A_209, %mul3A_257 : i32
      %scan3A_259 = arith.constant 1 : i32
      %scan3A_260 = arith.constant 1 : i32
      %scan3A_261 = arith.constant 1 : i32
      %scan3A_262 = arith.constant 0 : i32
      %scan3A_263 = arith.constant 0 : i32
      %scan3A_264 = arith.constant 4 : i32
      %scan3A_265 = arith.addi %scan3A_263, %scan3A_264 : i32
      %scan3A_266 = arith.constant 1 : i32
      %scan3A_267 = scf.for %scan3A_396 = %scan3A_263 to %scan3A_265 step %scan3A_266 iter_args(%scan3A_397 = %scan3A_262) -> (i32)  : i32 {
        %mul3A_398 = arith.constant 16 : i32
        %mul3A_399 = arith.muli %scan3A_396, %mul3A_398 : i32
        %add3A_400 = vector.broadcast %mul3A_399 : i32 to vector<16xi32>
        %add3A_401 = arith.addi %add3A_400, %iota3A : vector<16xi32>
        %scan3A_402 = arith.constant 0 : i32
        %scan3A_403 = arith.constant 64 : i32
        %scan3A_404 = arith.addi %scan3A_402, %scan3A_403 : i32
        %scan3A_405 = arith.constant 2 : i32
        %scan3A_406:5 = scf.for %scan3A_417 = %scan3A_402 to %scan3A_404 step %scan3A_405 iter_args(%scan3A_418 = %iota3A, %scan3A_419 = %broadcast_in_dim3A_13, %scan3A_420 = %broadcast_in_dim3A_13, %scan3A_421 = %broadcast_in_dim3A_13, %scan3A_422 = %broadcast_in_dim3A_13) -> (vector<16xi32>, vector<16xf32>, vector<16xf32>, vector<16xf32>, vector<16xf32>)  : i32 {
          %gather3A = arith.constant 0 : i32
          %gather3A_423 = arith.constant 0 : i32
          %gather3A_424 = tpu.memref_slice %arg12[%scan3A_259, %gather3A, %gather3A_423] : memref<4x64x128xf32, #tpu.memory_space<vmem>> -> memref<1x64x128xf32, #tpu.memory_space<vmem>>
          %gather3A_425 = tpu.memref_squeeze %gather3A_424 : memref<1x64x128xf32, #tpu.memory_space<vmem>> -> memref<64x128xf32, #tpu.memory_space<vmem>>
          %gather3A_426 = tpu.vector_load_idx %gather3A_425[%add3A_401, %scan3A_418] : memref<64x128xf32, #tpu.memory_space<vmem>>[vector<16xi32>, vector<16xi32>], vector<16xf32>,
          %gather3A_427 = arith.constant 0 : i32
          %gather3A_428 = arith.constant 0 : i32
          %gather3A_429 = tpu.memref_slice %arg13[%scan3A_260, %gather3A_427, %gather3A_428] : memref<4x64x128xf32, #tpu.memory_space<vmem>> -> memref<1x64x128xf32, #tpu.memory_space<vmem>>
          %gather3A_430 = tpu.memref_squeeze %gather3A_429 : memref<1x64x128xf32, #tpu.memory_space<vmem>> -> memref<64x128xf32, #tpu.memory_space<vmem>>
          %gather3A_431 = tpu.vector_load_idx %gather3A_430[%add3A_401, %scan3A_418] : memref<64x128xf32, #tpu.memory_space<vmem>>[vector<16xi32>, vector<16xi32>], vector<16xf32>,
          %gather3A_432 = arith.constant 0 : i32
          %gather3A_433 = arith.constant 0 : i32
          %gather3A_434 = tpu.memref_slice %arg14[%scan3A_261, %gather3A_432, %gather3A_433] : memref<4x64x128xf32, #tpu.memory_space<vmem>> -> memref<1x64x128xf32, #tpu.memory_space<vmem>>
          %gather3A_435 = tpu.memref_squeeze %gather3A_434 : memref<1x64x128xf32, #tpu.memory_space<vmem>> -> memref<64x128xf32, #tpu.memory_space<vmem>>
          %gather3A_436 = tpu.vector_load_idx %gather3A_435[%add3A_401, %scan3A_418] : memref<64x128xf32, #tpu.memory_space<vmem>>[vector<16xi32>, vector<16xi32>], vector<16xf32>,
          %add3A_437 = arith.constant 1 : i32
          %add3A_438 = vector.broadcast %add3A_437 : i32 to vector<16xi32>
          %add3A_439 = arith.addi %scan3A_418, %add3A_438 : vector<16xi32>
          %and3A = arith.constant 127 : i32
          %and3A_440 = vector.broadcast %and3A : i32 to vector<16xi32>
          %and3A_441 = arith.andi %add3A_439, %and3A_440 : vector<16xi32>
          %gather3A_442 = arith.constant 0 : i32
          %gather3A_443 = arith.constant 0 : i32
          %gather3A_444 = tpu.memref_slice %arg12[%scan3A_259, %gather3A_442, %gather3A_443] : memref<4x64x128xf32, #tpu.memory_space<vmem>> -> memref<1x64x128xf32, #tpu.memory_space<vmem>>
          %gather3A_445 = tpu.memref_squeeze %gather3A_444 : memref<1x64x128xf32, #tpu.memory_space<vmem>> -> memref<64x128xf32, #tpu.memory_space<vmem>>
          %gather3A_446 = tpu.vector_load_idx %gather3A_445[%add3A_401, %and3A_441] : memref<64x128xf32, #tpu.memory_space<vmem>>[vector<16xi32>, vector<16xi32>], vector<16xf32>,
          %gather3A_447 = arith.constant 0 : i32
          %gather3A_448 = arith.constant 0 : i32
          %gather3A_449 = tpu.memref_slice %arg13[%scan3A_260, %gather3A_447, %gather3A_448] : memref<4x64x128xf32, #tpu.memory_space<vmem>> -> memref<1x64x128xf32, #tpu.memory_space<vmem>>
          %gather3A_450 = tpu.memref_squeeze %gather3A_449 : memref<1x64x128xf32, #tpu.memory_space<vmem>> -> memref<64x128xf32, #tpu.memory_space<vmem>>
          %gather3A_451 = tpu.vector_load_idx %gather3A_450[%add3A_401, %and3A_441] : memref<64x128xf32, #tpu.memory_space<vmem>>[vector<16xi32>, vector<16xi32>], vector<16xf32>,
          %gather3A_452 = arith.constant 0 : i32
          %gather3A_453 = arith.constant 0 : i32
          %gather3A_454 = tpu.memref_slice %arg14[%scan3A_261, %gather3A_452, %gather3A_453] : memref<4x64x128xf32, #tpu.memory_space<vmem>> -> memref<1x64x128xf32, #tpu.memory_space<vmem>>
          %gather3A_455 = tpu.memref_squeeze %gather3A_454 : memref<1x64x128xf32, #tpu.memory_space<vmem>> -> memref<64x128xf32, #tpu.memory_space<vmem>>
          %gather3A_456 = tpu.vector_load_idx %gather3A_455[%add3A_401, %and3A_441] : memref<64x128xf32, #tpu.memory_space<vmem>>[vector<16xi32>, vector<16xi32>], vector<16xf32>,
          %add3A_457 = arith.constant 1 : i32
          %add3A_458 = vector.broadcast %add3A_457 : i32 to vector<16xi32>
          %add3A_459 = arith.addi %and3A_441, %add3A_458 : vector<16xi32>
          %and3A_460 = arith.constant 127 : i32
          %and3A_461 = vector.broadcast %and3A_460 : i32 to vector<16xi32>
          %and3A_462 = arith.andi %add3A_459, %and3A_461 : vector<16xi32>
          %mul3A_463 = arith.mulf %gather3A_426, %gather3A_431 : vector<16xf32>
          %add3A_464 = arith.addf %scan3A_419, %mul3A_463 : vector<16xf32>
          %mul3A_465 = arith.mulf %gather3A_446, %gather3A_451 : vector<16xf32>
          %add3A_466 = arith.addf %scan3A_420, %mul3A_465 : vector<16xf32>
          %mul3A_467 = arith.mulf %gather3A_426, %gather3A_436 : vector<16xf32>
          %add3A_468 = arith.addf %scan3A_421, %mul3A_467 : vector<16xf32>
          %mul3A_469 = arith.mulf %gather3A_446, %gather3A_456 : vector<16xf32>
          %add3A_470 = arith.addf %scan3A_422, %mul3A_469 : vector<16xf32>
          %scan3A_471 = arith.constant 1 : i32
          %scan3A_472 = arith.addi %scan3A_417, %scan3A_471 : i32
          %gather3A_473 = arith.constant 0 : i32
          %gather3A_474 = arith.constant 0 : i32
          %gather3A_475 = tpu.memref_slice %arg12[%scan3A_259, %gather3A_473, %gather3A_474] : memref<4x64x128xf32, #tpu.memory_space<vmem>> -> memref<1x64x128xf32, #tpu.memory_space<vmem>>
          %gather3A_476 = tpu.memref_squeeze %gather3A_475 : memref<1x64x128xf32, #tpu.memory_space<vmem>> -> memref<64x128xf32, #tpu.memory_space<vmem>>
          %gather3A_477 = tpu.vector_load_idx %gather3A_476[%add3A_401, %and3A_462] : memref<64x128xf32, #tpu.memory_space<vmem>>[vector<16xi32>, vector<16xi32>], vector<16xf32>,
          %gather3A_478 = arith.constant 0 : i32
          %gather3A_479 = arith.constant 0 : i32
          %gather3A_480 = tpu.memref_slice %arg13[%scan3A_260, %gather3A_478, %gather3A_479] : memref<4x64x128xf32, #tpu.memory_space<vmem>> -> memref<1x64x128xf32, #tpu.memory_space<vmem>>
          %gather3A_481 = tpu.memref_squeeze %gather3A_480 : memref<1x64x128xf32, #tpu.memory_space<vmem>> -> memref<64x128xf32, #tpu.memory_space<vmem>>
          %gather3A_482 = tpu.vector_load_idx %gather3A_481[%add3A_401, %and3A_462] : memref<64x128xf32, #tpu.memory_space<vmem>>[vector<16xi32>, vector<16xi32>], vector<16xf32>,
          %gather3A_483 = arith.constant 0 : i32
          %gather3A_484 = arith.constant 0 : i32
          %gather3A_485 = tpu.memref_slice %arg14[%scan3A_261, %gather3A_483, %gather3A_484] : memref<4x64x128xf32, #tpu.memory_space<vmem>> -> memref<1x64x128xf32, #tpu.memory_space<vmem>>
          %gather3A_486 = tpu.memref_squeeze %gather3A_485 : memref<1x64x128xf32, #tpu.memory_space<vmem>> -> memref<64x128xf32, #tpu.memory_space<vmem>>
          %gather3A_487 = tpu.vector_load_idx %gather3A_486[%add3A_401, %and3A_462] : memref<64x128xf32, #tpu.memory_space<vmem>>[vector<16xi32>, vector<16xi32>], vector<16xf32>,
          %add3A_488 = arith.constant 1 : i32
          %add3A_489 = vector.broadcast %add3A_488 : i32 to vector<16xi32>
          %add3A_490 = arith.addi %and3A_462, %add3A_489 : vector<16xi32>
          %and3A_491 = arith.constant 127 : i32
          %and3A_492 = vector.broadcast %and3A_491 : i32 to vector<16xi32>
          %and3A_493 = arith.andi %add3A_490, %and3A_492 : vector<16xi32>
          %gather3A_494 = arith.constant 0 : i32
          %gather3A_495 = arith.constant 0 : i32
          %gather3A_496 = tpu.memref_slice %arg12[%scan3A_259, %gather3A_494, %gather3A_495] : memref<4x64x128xf32, #tpu.memory_space<vmem>> -> memref<1x64x128xf32, #tpu.memory_space<vmem>>
          %gather3A_497 = tpu.memref_squeeze %gather3A_496 : memref<1x64x128xf32, #tpu.memory_space<vmem>> -> memref<64x128xf32, #tpu.memory_space<vmem>>
          %gather3A_498 = tpu.vector_load_idx %gather3A_497[%add3A_401, %and3A_493] : memref<64x128xf32, #tpu.memory_space<vmem>>[vector<16xi32>, vector<16xi32>], vector<16xf32>,
          %gather3A_499 = arith.constant 0 : i32
          %gather3A_500 = arith.constant 0 : i32
          %gather3A_501 = tpu.memref_slice %arg13[%scan3A_260, %gather3A_499, %gather3A_500] : memref<4x64x128xf32, #tpu.memory_space<vmem>> -> memref<1x64x128xf32, #tpu.memory_space<vmem>>
          %gather3A_502 = tpu.memref_squeeze %gather3A_501 : memref<1x64x128xf32, #tpu.memory_space<vmem>> -> memref<64x128xf32, #tpu.memory_space<vmem>>
          %gather3A_503 = tpu.vector_load_idx %gather3A_502[%add3A_401, %and3A_493] : memref<64x128xf32, #tpu.memory_space<vmem>>[vector<16xi32>, vector<16xi32>], vector<16xf32>,
          %gather3A_504 = arith.constant 0 : i32
          %gather3A_505 = arith.constant 0 : i32
          %gather3A_506 = tpu.memref_slice %arg14[%scan3A_261, %gather3A_504, %gather3A_505] : memref<4x64x128xf32, #tpu.memory_space<vmem>> -> memref<1x64x128xf32, #tpu.memory_space<vmem>>
          %gather3A_507 = tpu.memref_squeeze %gather3A_506 : memref<1x64x128xf32, #tpu.memory_space<vmem>> -> memref<64x128xf32, #tpu.memory_space<vmem>>
          %gather3A_508 = tpu.vector_load_idx %gather3A_507[%add3A_401, %and3A_493] : memref<64x128xf32, #tpu.memory_space<vmem>>[vector<16xi32>, vector<16xi32>], vector<16xf32>,
          %add3A_509 = arith.constant 1 : i32
          %add3A_510 = vector.broadcast %add3A_509 : i32 to vector<16xi32>
          %add3A_511 = arith.addi %and3A_493, %add3A_510 : vector<16xi32>
          %and3A_512 = arith.constant 127 : i32
          %and3A_513 = vector.broadcast %and3A_512 : i32 to vector<16xi32>
          %and3A_514 = arith.andi %add3A_511, %and3A_513 : vector<16xi32>
          %mul3A_515 = arith.mulf %gather3A_477, %gather3A_482 : vector<16xf32>
          %add3A_516 = arith.addf %add3A_464, %mul3A_515 : vector<16xf32>
          %mul3A_517 = arith.mulf %gather3A_498, %gather3A_503 : vector<16xf32>
          %add3A_518 = arith.addf %add3A_466, %mul3A_517 : vector<16xf32>
          %mul3A_519 = arith.mulf %gather3A_477, %gather3A_487 : vector<16xf32>
          %add3A_520 = arith.addf %add3A_468, %mul3A_519 : vector<16xf32>
          %mul3A_521 = arith.mulf %gather3A_498, %gather3A_508 : vector<16xf32>
          %add3A_522 = arith.addf %add3A_470, %mul3A_521 : vector<16xf32>
          scf.yield %and3A_514, %add3A_516, %add3A_518, %add3A_520, %add3A_522 : vector<16xi32>, vector<16xf32>, vector<16xf32>, vector<16xf32>, vector<16xf32>
        }
        %scan3A_407 = arith.constant 64 : i32
        %mul3A_408 = arith.constant 16 : i32
        %mul3A_409 = arith.muli %scan3A_396, %mul3A_408 : i32
        %add3A_410 = arith.addi %mul3A_258, %mul3A_409 : i32
        %add3A_411 = arith.addf %scan3A_406#1, %scan3A_406#2 : vector<16xf32>
        %swap3A = arith.index_cast %add3A_410 : i32 to index
        %swap3A_412 = tpu.vector_load %arg15[%swap3A] {strides = array<i32>} : memref<512xf32, #tpu.memory_space<vmem>>, vector<16xf32>,
        tpu.vector_store %arg15[%swap3A], %add3A_411 {strides = array<i32>} : memref<512xf32, #tpu.memory_space<vmem>>, vector<16xf32>,
        %add3A_413 = arith.addf %scan3A_406#3, %scan3A_406#4 : vector<16xf32>
        %swap3A_414 = arith.index_cast %add3A_410 : i32 to index
        %swap3A_415 = tpu.vector_load %arg16[%swap3A_414] {strides = array<i32>} : memref<512xf32, #tpu.memory_space<vmem>>, vector<16xf32>,
        tpu.vector_store %arg16[%swap3A_414], %add3A_413 {strides = array<i32>} : memref<512xf32, #tpu.memory_space<vmem>>, vector<16xf32>,
        %scan3A_416 = arith.constant 0 : i32
        scf.yield %scan3A_416 : i32
      }
      %scan3A_268 = arith.constant 4 : i32
      %mul3A_269 = arith.constant 4 : i32
      %mul3A_270 = arith.muli %scan3A_145, %mul3A_269 : i32
      %add3A_271 = arith.constant 2 : i32
      %add3A_272 = arith.addi %mul3A_270, %add3A_271 : i32
      %add3A_273 = arith.constant 4 : i32
      %add3A_274 = arith.addi %add3A_272, %add3A_273 : i32
      %sub3A_275 = arith.constant 1 : i32
      %sub3A_276 = arith.subi %add3A_274, %sub3A_275 : i32
      %lt3A_277 = arith.constant 8 : i32
      %lt3A_278 = arith.cmpi slt, %sub3A_276, %lt3A_277 : i32
      %convert_element_type3A_279 = arith.extui %lt3A_278 : i1 to i32
      %cond3A_280 = arith.constant 0 : i32
      %cond3A_281 = arith.cmpi ne, %convert_element_type3A_279, %cond3A_280 : i32
      scf.if %cond3A_281 {
        %jit3A = arith.constant 4 : i32
        %eq3A = arith.constant 0 : i32
        %eq3A_396 = arith.cmpi eq, %jit3A, %eq3A : i32
        %jit3A_397 = arith.constant 1 : i32
        %select_n3A = arith.select %eq3A_396, %jit3A_397, %jit3A : i32
        %rem3A = arith.remsi %sub3A_276, %select_n3A : i32
        %ne3A = arith.constant 0 : i32
        %ne3A_398 = arith.cmpi ne, %rem3A, %ne3A : i32
        %lt3A_399 = arith.constant 0 : i32
        %lt3A_400 = arith.cmpi slt, %rem3A, %lt3A_399 : i32
        %lt3A_401 = arith.constant 0 : i32
        %lt3A_402 = arith.cmpi slt, %select_n3A, %lt3A_401 : i32
        %ne3A_403 = arith.xori %lt3A_400, %lt3A_402 : i1
        %and3A = arith.andi %ne3A_403, %ne3A_398 : i1
        %add3A_404 = arith.addi %rem3A, %select_n3A : i32
        %select_n3A_405 = arith.select %and3A, %add3A_404, %rem3A : i32
        %mul3A_406 = arith.constant 64 : i32
        %mul3A_407 = arith.muli %sub3A_276, %mul3A_406 : i32
        %dma_start3A_408 = arith.constant 0 : i32
        %dma_start3A_409 = arith.constant 0 : i32
        %dma_start3A_410 = tpu.memref_slice %arg12[%select_n3A_405, %dma_start3A_408, %dma_start3A_409] : memref<4x64x128xf32, #tpu.memory_space<vmem>> -> memref<1x64x128xf32, #tpu.memory_space<vmem>>
        %dma_start3A_411 = tpu.memref_squeeze %dma_start3A_410 : memref<1x64x128xf32, #tpu.memory_space<vmem>> -> memref<64x128xf32, #tpu.memory_space<vmem>>
        %dma_start3A_412 = tpu.memref_slice %arg9[%mul3A_407] : memref<512xi32, #tpu.memory_space<vmem>> -> memref<64xi32, #tpu.memory_space<vmem>>
        %dma_start3A_413 = arith.constant 0 : i32
        %dma_start3A_414 = arith.constant 0 : i32
        %dma_start3A_415 = tpu.memref_slice %arg5[%dma_start3A_413, %dma_start3A_414] : memref<1000000x128xf32, #tpu.memory_space<hbm>> -> memref<1000000x128xf32, #tpu.memory_space<hbm>>
        %dma_start3A_416 = tpu.memref_slice %arg17[%select_n3A_405] : memref<4x!tpu.dma_semaphore, #tpu.memory_space<semaphore_mem>> -> memref<1x!tpu.dma_semaphore, #tpu.memory_space<semaphore_mem>>
        %dma_start3A_417 = tpu.memref_squeeze %dma_start3A_416 : memref<1x!tpu.dma_semaphore, #tpu.memory_space<semaphore_mem>> -> memref<!tpu.dma_semaphore, #tpu.memory_space<semaphore_mem>>
        tpu.enqueue_indirect_dma source(%dma_start3A_415 : memref<1000000x128xf32, #tpu.memory_space<hbm>>) target(%dma_start3A_411 : memref<64x128xf32, #tpu.memory_space<vmem>>) offsets(%dma_start3A_412 : memref<64xi32, #tpu.memory_space<vmem>>) semaphore(%dma_start3A_417 : memref<!tpu.dma_semaphore, #tpu.memory_space<semaphore_mem>>)
        %dma_start3A_418 = arith.constant 0 : i32
        %dma_start3A_419 = arith.constant 0 : i32
        %dma_start3A_420 = tpu.memref_slice %arg13[%select_n3A_405, %dma_start3A_418, %dma_start3A_419] : memref<4x64x128xf32, #tpu.memory_space<vmem>> -> memref<1x64x128xf32, #tpu.memory_space<vmem>>
        %dma_start3A_421 = tpu.memref_squeeze %dma_start3A_420 : memref<1x64x128xf32, #tpu.memory_space<vmem>> -> memref<64x128xf32, #tpu.memory_space<vmem>>
        %dma_start3A_422 = tpu.memref_slice %arg10[%mul3A_407] : memref<512xi32, #tpu.memory_space<vmem>> -> memref<64xi32, #tpu.memory_space<vmem>>
        %dma_start3A_423 = arith.constant 0 : i32
        %dma_start3A_424 = arith.constant 0 : i32
        %dma_start3A_425 = tpu.memref_slice %arg6[%dma_start3A_423, %dma_start3A_424] : memref<1000000x128xf32, #tpu.memory_space<hbm>> -> memref<1000000x128xf32, #tpu.memory_space<hbm>>
        %dma_start3A_426 = tpu.memref_slice %arg17[%select_n3A_405] : memref<4x!tpu.dma_semaphore, #tpu.memory_space<semaphore_mem>> -> memref<1x!tpu.dma_semaphore, #tpu.memory_space<semaphore_mem>>
        %dma_start3A_427 = tpu.memref_squeeze %dma_start3A_426 : memref<1x!tpu.dma_semaphore, #tpu.memory_space<semaphore_mem>> -> memref<!tpu.dma_semaphore, #tpu.memory_space<semaphore_mem>>
        tpu.enqueue_indirect_dma source(%dma_start3A_425 : memref<1000000x128xf32, #tpu.memory_space<hbm>>) target(%dma_start3A_421 : memref<64x128xf32, #tpu.memory_space<vmem>>) offsets(%dma_start3A_422 : memref<64xi32, #tpu.memory_space<vmem>>) semaphore(%dma_start3A_427 : memref<!tpu.dma_semaphore, #tpu.memory_space<semaphore_mem>>)
        %dma_start3A_428 = arith.constant 0 : i32
        %dma_start3A_429 = arith.constant 0 : i32
        %dma_start3A_430 = tpu.memref_slice %arg14[%select_n3A_405, %dma_start3A_428, %dma_start3A_429] : memref<4x64x128xf32, #tpu.memory_space<vmem>> -> memref<1x64x128xf32, #tpu.memory_space<vmem>>
        %dma_start3A_431 = tpu.memref_squeeze %dma_start3A_430 : memref<1x64x128xf32, #tpu.memory_space<vmem>> -> memref<64x128xf32, #tpu.memory_space<vmem>>
        %dma_start3A_432 = tpu.memref_slice %arg11[%mul3A_407] : memref<512xi32, #tpu.memory_space<vmem>> -> memref<64xi32, #tpu.memory_space<vmem>>
        %dma_start3A_433 = arith.constant 0 : i32
        %dma_start3A_434 = arith.constant 0 : i32
        %dma_start3A_435 = tpu.memref_slice %arg6[%dma_start3A_433, %dma_start3A_434] : memref<1000000x128xf32, #tpu.memory_space<hbm>> -> memref<1000000x128xf32, #tpu.memory_space<hbm>>
        %dma_start3A_436 = tpu.memref_slice %arg17[%select_n3A_405] : memref<4x!tpu.dma_semaphore, #tpu.memory_space<semaphore_mem>> -> memref<1x!tpu.dma_semaphore, #tpu.memory_space<semaphore_mem>>
        %dma_start3A_437 = tpu.memref_squeeze %dma_start3A_436 : memref<1x!tpu.dma_semaphore, #tpu.memory_space<semaphore_mem>> -> memref<!tpu.dma_semaphore, #tpu.memory_space<semaphore_mem>>
        tpu.enqueue_indirect_dma source(%dma_start3A_435 : memref<1000000x128xf32, #tpu.memory_space<hbm>>) target(%dma_start3A_431 : memref<64x128xf32, #tpu.memory_space<vmem>>) offsets(%dma_start3A_432 : memref<64xi32, #tpu.memory_space<vmem>>) semaphore(%dma_start3A_437 : memref<!tpu.dma_semaphore, #tpu.memory_space<semaphore_mem>>)
      } else {
      }
      %mul3A_282 = arith.constant 64 : i32
      %mul3A_283 = arith.muli %add3A_272, %mul3A_282 : i32
      %dma_wait3A_284 = arith.constant 2 : i32
      %dma_wait3A_285 = arith.constant 2 : i32
      %dma_wait3A_286 = arith.constant 0 : i32
      %dma_wait3A_287 = arith.constant 0 : i32
      %dma_wait3A_288 = tpu.memref_slice %arg12[%dma_wait3A_284, %dma_wait3A_286, %dma_wait3A_287] : memref<4x64x128xf32, #tpu.memory_space<vmem>> -> memref<1x64x128xf32, #tpu.memory_space<vmem>>
      %dma_wait3A_289 = tpu.memref_squeeze %dma_wait3A_288 : memref<1x64x128xf32, #tpu.memory_space<vmem>> -> memref<64x128xf32, #tpu.memory_space<vmem>>
      %dma_wait3A_290 = tpu.memref_slice %arg9[%mul3A_283] : memref<512xi32, #tpu.memory_space<vmem>> -> memref<64xi32, #tpu.memory_space<vmem>>
      %dma_wait3A_291 = arith.constant 0 : i32
      %dma_wait3A_292 = arith.constant 0 : i32
      %dma_wait3A_293 = tpu.memref_slice %arg5[%dma_wait3A_291, %dma_wait3A_292] : memref<1000000x128xf32, #tpu.memory_space<hbm>> -> memref<1000000x128xf32, #tpu.memory_space<hbm>>
      %dma_wait3A_294 = tpu.memref_slice %arg17[%dma_wait3A_285] : memref<4x!tpu.dma_semaphore, #tpu.memory_space<semaphore_mem>> -> memref<1x!tpu.dma_semaphore, #tpu.memory_space<semaphore_mem>>
      %dma_wait3A_295 = tpu.memref_squeeze %dma_wait3A_294 : memref<1x!tpu.dma_semaphore, #tpu.memory_space<semaphore_mem>> -> memref<!tpu.dma_semaphore, #tpu.memory_space<semaphore_mem>>
      tpu.wait_indirect_dma semaphore(%dma_wait3A_295 : memref<!tpu.dma_semaphore, #tpu.memory_space<semaphore_mem>>) src(%dma_wait3A_293 : memref<1000000x128xf32, #tpu.memory_space<hbm>>) dst(%dma_wait3A_289 : memref<64x128xf32, #tpu.memory_space<vmem>>)
      %dma_wait3A_296 = arith.constant 2 : i32
      %dma_wait3A_297 = arith.constant 2 : i32
      %dma_wait3A_298 = arith.constant 0 : i32
      %dma_wait3A_299 = arith.constant 0 : i32
      %dma_wait3A_300 = tpu.memref_slice %arg13[%dma_wait3A_296, %dma_wait3A_298, %dma_wait3A_299] : memref<4x64x128xf32, #tpu.memory_space<vmem>> -> memref<1x64x128xf32, #tpu.memory_space<vmem>>
      %dma_wait3A_301 = tpu.memref_squeeze %dma_wait3A_300 : memref<1x64x128xf32, #tpu.memory_space<vmem>> -> memref<64x128xf32, #tpu.memory_space<vmem>>
      %dma_wait3A_302 = tpu.memref_slice %arg10[%mul3A_283] : memref<512xi32, #tpu.memory_space<vmem>> -> memref<64xi32, #tpu.memory_space<vmem>>
      %dma_wait3A_303 = arith.constant 0 : i32
      %dma_wait3A_304 = arith.constant 0 : i32
      %dma_wait3A_305 = tpu.memref_slice %arg6[%dma_wait3A_303, %dma_wait3A_304] : memref<1000000x128xf32, #tpu.memory_space<hbm>> -> memref<1000000x128xf32, #tpu.memory_space<hbm>>
      %dma_wait3A_306 = tpu.memref_slice %arg17[%dma_wait3A_297] : memref<4x!tpu.dma_semaphore, #tpu.memory_space<semaphore_mem>> -> memref<1x!tpu.dma_semaphore, #tpu.memory_space<semaphore_mem>>
      %dma_wait3A_307 = tpu.memref_squeeze %dma_wait3A_306 : memref<1x!tpu.dma_semaphore, #tpu.memory_space<semaphore_mem>> -> memref<!tpu.dma_semaphore, #tpu.memory_space<semaphore_mem>>
      tpu.wait_indirect_dma semaphore(%dma_wait3A_307 : memref<!tpu.dma_semaphore, #tpu.memory_space<semaphore_mem>>) src(%dma_wait3A_305 : memref<1000000x128xf32, #tpu.memory_space<hbm>>) dst(%dma_wait3A_301 : memref<64x128xf32, #tpu.memory_space<vmem>>)
      %dma_wait3A_308 = arith.constant 2 : i32
      %dma_wait3A_309 = arith.constant 2 : i32
      %dma_wait3A_310 = arith.constant 0 : i32
      %dma_wait3A_311 = arith.constant 0 : i32
      %dma_wait3A_312 = tpu.memref_slice %arg14[%dma_wait3A_308, %dma_wait3A_310, %dma_wait3A_311] : memref<4x64x128xf32, #tpu.memory_space<vmem>> -> memref<1x64x128xf32, #tpu.memory_space<vmem>>
      %dma_wait3A_313 = tpu.memref_squeeze %dma_wait3A_312 : memref<1x64x128xf32, #tpu.memory_space<vmem>> -> memref<64x128xf32, #tpu.memory_space<vmem>>
      %dma_wait3A_314 = tpu.memref_slice %arg11[%mul3A_283] : memref<512xi32, #tpu.memory_space<vmem>> -> memref<64xi32, #tpu.memory_space<vmem>>
      %dma_wait3A_315 = arith.constant 0 : i32
      %dma_wait3A_316 = arith.constant 0 : i32
      %dma_wait3A_317 = tpu.memref_slice %arg6[%dma_wait3A_315, %dma_wait3A_316] : memref<1000000x128xf32, #tpu.memory_space<hbm>> -> memref<1000000x128xf32, #tpu.memory_space<hbm>>
      %dma_wait3A_318 = tpu.memref_slice %arg17[%dma_wait3A_309] : memref<4x!tpu.dma_semaphore, #tpu.memory_space<semaphore_mem>> -> memref<1x!tpu.dma_semaphore, #tpu.memory_space<semaphore_mem>>
      %dma_wait3A_319 = tpu.memref_squeeze %dma_wait3A_318 : memref<1x!tpu.dma_semaphore, #tpu.memory_space<semaphore_mem>> -> memref<!tpu.dma_semaphore, #tpu.memory_space<semaphore_mem>>
      tpu.wait_indirect_dma semaphore(%dma_wait3A_319 : memref<!tpu.dma_semaphore, #tpu.memory_space<semaphore_mem>>) src(%dma_wait3A_317 : memref<1000000x128xf32, #tpu.memory_space<hbm>>) dst(%dma_wait3A_313 : memref<64x128xf32, #tpu.memory_space<vmem>>)
      %mul3A_320 = arith.constant 64 : i32
      %mul3A_321 = arith.muli %add3A_272, %mul3A_320 : i32
      %scan3A_322 = arith.constant 2 : i32
      %scan3A_323 = arith.constant 2 : i32
      %scan3A_324 = arith.constant 2 : i32
      %scan3A_325 = arith.constant 0 : i32
      %scan3A_326 = arith.constant 0 : i32
      %scan3A_327 = arith.constant 4 : i32
      %scan3A_328 = arith.addi %scan3A_326, %scan3A_327 : i32
      %scan3A_329 = arith.constant 1 : i32
      %scan3A_330 = scf.for %scan3A_396 = %scan3A_326 to %scan3A_328 step %scan3A_329 iter_args(%scan3A_397 = %scan3A_325) -> (i32)  : i32 {
        %mul3A_398 = arith.constant 16 : i32
        %mul3A_399 = arith.muli %scan3A_396, %mul3A_398 : i32
        %add3A_400 = vector.broadcast %mul3A_399 : i32 to vector<16xi32>
        %add3A_401 = arith.addi %add3A_400, %iota3A : vector<16xi32>
        %scan3A_402 = arith.constant 0 : i32
        %scan3A_403 = arith.constant 64 : i32
        %scan3A_404 = arith.addi %scan3A_402, %scan3A_403 : i32
        %scan3A_405 = arith.constant 2 : i32
        %scan3A_406:5 = scf.for %scan3A_417 = %scan3A_402 to %scan3A_404 step %scan3A_405 iter_args(%scan3A_418 = %iota3A, %scan3A_419 = %broadcast_in_dim3A_13, %scan3A_420 = %broadcast_in_dim3A_13, %scan3A_421 = %broadcast_in_dim3A_13, %scan3A_422 = %broadcast_in_dim3A_13) -> (vector<16xi32>, vector<16xf32>, vector<16xf32>, vector<16xf32>, vector<16xf32>)  : i32 {
          %gather3A = arith.constant 0 : i32
          %gather3A_423 = arith.constant 0 : i32
          %gather3A_424 = tpu.memref_slice %arg12[%scan3A_322, %gather3A, %gather3A_423] : memref<4x64x128xf32, #tpu.memory_space<vmem>> -> memref<1x64x128xf32, #tpu.memory_space<vmem>>
          %gather3A_425 = tpu.memref_squeeze %gather3A_424 : memref<1x64x128xf32, #tpu.memory_space<vmem>> -> memref<64x128xf32, #tpu.memory_space<vmem>>
          %gather3A_426 = tpu.vector_load_idx %gather3A_425[%add3A_401, %scan3A_418] : memref<64x128xf32, #tpu.memory_space<vmem>>[vector<16xi32>, vector<16xi32>], vector<16xf32>,
          %gather3A_427 = arith.constant 0 : i32
          %gather3A_428 = arith.constant 0 : i32
          %gather3A_429 = tpu.memref_slice %arg13[%scan3A_323, %gather3A_427, %gather3A_428] : memref<4x64x128xf32, #tpu.memory_space<vmem>> -> memref<1x64x128xf32, #tpu.memory_space<vmem>>
          %gather3A_430 = tpu.memref_squeeze %gather3A_429 : memref<1x64x128xf32, #tpu.memory_space<vmem>> -> memref<64x128xf32, #tpu.memory_space<vmem>>
          %gather3A_431 = tpu.vector_load_idx %gather3A_430[%add3A_401, %scan3A_418] : memref<64x128xf32, #tpu.memory_space<vmem>>[vector<16xi32>, vector<16xi32>], vector<16xf32>,
          %gather3A_432 = arith.constant 0 : i32
          %gather3A_433 = arith.constant 0 : i32
          %gather3A_434 = tpu.memref_slice %arg14[%scan3A_324, %gather3A_432, %gather3A_433] : memref<4x64x128xf32, #tpu.memory_space<vmem>> -> memref<1x64x128xf32, #tpu.memory_space<vmem>>
          %gather3A_435 = tpu.memref_squeeze %gather3A_434 : memref<1x64x128xf32, #tpu.memory_space<vmem>> -> memref<64x128xf32, #tpu.memory_space<vmem>>
          %gather3A_436 = tpu.vector_load_idx %gather3A_435[%add3A_401, %scan3A_418] : memref<64x128xf32, #tpu.memory_space<vmem>>[vector<16xi32>, vector<16xi32>], vector<16xf32>,
          %add3A_437 = arith.constant 1 : i32
          %add3A_438 = vector.broadcast %add3A_437 : i32 to vector<16xi32>
          %add3A_439 = arith.addi %scan3A_418, %add3A_438 : vector<16xi32>
          %and3A = arith.constant 127 : i32
          %and3A_440 = vector.broadcast %and3A : i32 to vector<16xi32>
          %and3A_441 = arith.andi %add3A_439, %and3A_440 : vector<16xi32>
          %gather3A_442 = arith.constant 0 : i32
          %gather3A_443 = arith.constant 0 : i32
          %gather3A_444 = tpu.memref_slice %arg12[%scan3A_322, %gather3A_442, %gather3A_443] : memref<4x64x128xf32, #tpu.memory_space<vmem>> -> memref<1x64x128xf32, #tpu.memory_space<vmem>>
          %gather3A_445 = tpu.memref_squeeze %gather3A_444 : memref<1x64x128xf32, #tpu.memory_space<vmem>> -> memref<64x128xf32, #tpu.memory_space<vmem>>
          %gather3A_446 = tpu.vector_load_idx %gather3A_445[%add3A_401, %and3A_441] : memref<64x128xf32, #tpu.memory_space<vmem>>[vector<16xi32>, vector<16xi32>], vector<16xf32>,
          %gather3A_447 = arith.constant 0 : i32
          %gather3A_448 = arith.constant 0 : i32
          %gather3A_449 = tpu.memref_slice %arg13[%scan3A_323, %gather3A_447, %gather3A_448] : memref<4x64x128xf32, #tpu.memory_space<vmem>> -> memref<1x64x128xf32, #tpu.memory_space<vmem>>
          %gather3A_450 = tpu.memref_squeeze %gather3A_449 : memref<1x64x128xf32, #tpu.memory_space<vmem>> -> memref<64x128xf32, #tpu.memory_space<vmem>>
          %gather3A_451 = tpu.vector_load_idx %gather3A_450[%add3A_401, %and3A_441] : memref<64x128xf32, #tpu.memory_space<vmem>>[vector<16xi32>, vector<16xi32>], vector<16xf32>,
          %gather3A_452 = arith.constant 0 : i32
          %gather3A_453 = arith.constant 0 : i32
          %gather3A_454 = tpu.memref_slice %arg14[%scan3A_324, %gather3A_452, %gather3A_453] : memref<4x64x128xf32, #tpu.memory_space<vmem>> -> memref<1x64x128xf32, #tpu.memory_space<vmem>>
          %gather3A_455 = tpu.memref_squeeze %gather3A_454 : memref<1x64x128xf32, #tpu.memory_space<vmem>> -> memref<64x128xf32, #tpu.memory_space<vmem>>
          %gather3A_456 = tpu.vector_load_idx %gather3A_455[%add3A_401, %and3A_441] : memref<64x128xf32, #tpu.memory_space<vmem>>[vector<16xi32>, vector<16xi32>], vector<16xf32>,
          %add3A_457 = arith.constant 1 : i32
          %add3A_458 = vector.broadcast %add3A_457 : i32 to vector<16xi32>
          %add3A_459 = arith.addi %and3A_441, %add3A_458 : vector<16xi32>
          %and3A_460 = arith.constant 127 : i32
          %and3A_461 = vector.broadcast %and3A_460 : i32 to vector<16xi32>
          %and3A_462 = arith.andi %add3A_459, %and3A_461 : vector<16xi32>
          %mul3A_463 = arith.mulf %gather3A_426, %gather3A_431 : vector<16xf32>
          %add3A_464 = arith.addf %scan3A_419, %mul3A_463 : vector<16xf32>
          %mul3A_465 = arith.mulf %gather3A_446, %gather3A_451 : vector<16xf32>
          %add3A_466 = arith.addf %scan3A_420, %mul3A_465 : vector<16xf32>
          %mul3A_467 = arith.mulf %gather3A_426, %gather3A_436 : vector<16xf32>
          %add3A_468 = arith.addf %scan3A_421, %mul3A_467 : vector<16xf32>
          %mul3A_469 = arith.mulf %gather3A_446, %gather3A_456 : vector<16xf32>
          %add3A_470 = arith.addf %scan3A_422, %mul3A_469 : vector<16xf32>
          %scan3A_471 = arith.constant 1 : i32
          %scan3A_472 = arith.addi %scan3A_417, %scan3A_471 : i32
          %gather3A_473 = arith.constant 0 : i32
          %gather3A_474 = arith.constant 0 : i32
          %gather3A_475 = tpu.memref_slice %arg12[%scan3A_322, %gather3A_473, %gather3A_474] : memref<4x64x128xf32, #tpu.memory_space<vmem>> -> memref<1x64x128xf32, #tpu.memory_space<vmem>>
          %gather3A_476 = tpu.memref_squeeze %gather3A_475 : memref<1x64x128xf32, #tpu.memory_space<vmem>> -> memref<64x128xf32, #tpu.memory_space<vmem>>
          %gather3A_477 = tpu.vector_load_idx %gather3A_476[%add3A_401, %and3A_462] : memref<64x128xf32, #tpu.memory_space<vmem>>[vector<16xi32>, vector<16xi32>], vector<16xf32>,
          %gather3A_478 = arith.constant 0 : i32
          %gather3A_479 = arith.constant 0 : i32
          %gather3A_480 = tpu.memref_slice %arg13[%scan3A_323, %gather3A_478, %gather3A_479] : memref<4x64x128xf32, #tpu.memory_space<vmem>> -> memref<1x64x128xf32, #tpu.memory_space<vmem>>
          %gather3A_481 = tpu.memref_squeeze %gather3A_480 : memref<1x64x128xf32, #tpu.memory_space<vmem>> -> memref<64x128xf32, #tpu.memory_space<vmem>>
          %gather3A_482 = tpu.vector_load_idx %gather3A_481[%add3A_401, %and3A_462] : memref<64x128xf32, #tpu.memory_space<vmem>>[vector<16xi32>, vector<16xi32>], vector<16xf32>,
          %gather3A_483 = arith.constant 0 : i32
          %gather3A_484 = arith.constant 0 : i32
          %gather3A_485 = tpu.memref_slice %arg14[%scan3A_324, %gather3A_483, %gather3A_484] : memref<4x64x128xf32, #tpu.memory_space<vmem>> -> memref<1x64x128xf32, #tpu.memory_space<vmem>>
          %gather3A_486 = tpu.memref_squeeze %gather3A_485 : memref<1x64x128xf32, #tpu.memory_space<vmem>> -> memref<64x128xf32, #tpu.memory_space<vmem>>
          %gather3A_487 = tpu.vector_load_idx %gather3A_486[%add3A_401, %and3A_462] : memref<64x128xf32, #tpu.memory_space<vmem>>[vector<16xi32>, vector<16xi32>], vector<16xf32>,
          %add3A_488 = arith.constant 1 : i32
          %add3A_489 = vector.broadcast %add3A_488 : i32 to vector<16xi32>
          %add3A_490 = arith.addi %and3A_462, %add3A_489 : vector<16xi32>
          %and3A_491 = arith.constant 127 : i32
          %and3A_492 = vector.broadcast %and3A_491 : i32 to vector<16xi32>
          %and3A_493 = arith.andi %add3A_490, %and3A_492 : vector<16xi32>
          %gather3A_494 = arith.constant 0 : i32
          %gather3A_495 = arith.constant 0 : i32
          %gather3A_496 = tpu.memref_slice %arg12[%scan3A_322, %gather3A_494, %gather3A_495] : memref<4x64x128xf32, #tpu.memory_space<vmem>> -> memref<1x64x128xf32, #tpu.memory_space<vmem>>
          %gather3A_497 = tpu.memref_squeeze %gather3A_496 : memref<1x64x128xf32, #tpu.memory_space<vmem>> -> memref<64x128xf32, #tpu.memory_space<vmem>>
          %gather3A_498 = tpu.vector_load_idx %gather3A_497[%add3A_401, %and3A_493] : memref<64x128xf32, #tpu.memory_space<vmem>>[vector<16xi32>, vector<16xi32>], vector<16xf32>,
          %gather3A_499 = arith.constant 0 : i32
          %gather3A_500 = arith.constant 0 : i32
          %gather3A_501 = tpu.memref_slice %arg13[%scan3A_323, %gather3A_499, %gather3A_500] : memref<4x64x128xf32, #tpu.memory_space<vmem>> -> memref<1x64x128xf32, #tpu.memory_space<vmem>>
          %gather3A_502 = tpu.memref_squeeze %gather3A_501 : memref<1x64x128xf32, #tpu.memory_space<vmem>> -> memref<64x128xf32, #tpu.memory_space<vmem>>
          %gather3A_503 = tpu.vector_load_idx %gather3A_502[%add3A_401, %and3A_493] : memref<64x128xf32, #tpu.memory_space<vmem>>[vector<16xi32>, vector<16xi32>], vector<16xf32>,
          %gather3A_504 = arith.constant 0 : i32
          %gather3A_505 = arith.constant 0 : i32
          %gather3A_506 = tpu.memref_slice %arg14[%scan3A_324, %gather3A_504, %gather3A_505] : memref<4x64x128xf32, #tpu.memory_space<vmem>> -> memref<1x64x128xf32, #tpu.memory_space<vmem>>
          %gather3A_507 = tpu.memref_squeeze %gather3A_506 : memref<1x64x128xf32, #tpu.memory_space<vmem>> -> memref<64x128xf32, #tpu.memory_space<vmem>>
          %gather3A_508 = tpu.vector_load_idx %gather3A_507[%add3A_401, %and3A_493] : memref<64x128xf32, #tpu.memory_space<vmem>>[vector<16xi32>, vector<16xi32>], vector<16xf32>,
          %add3A_509 = arith.constant 1 : i32
          %add3A_510 = vector.broadcast %add3A_509 : i32 to vector<16xi32>
          %add3A_511 = arith.addi %and3A_493, %add3A_510 : vector<16xi32>
          %and3A_512 = arith.constant 127 : i32
          %and3A_513 = vector.broadcast %and3A_512 : i32 to vector<16xi32>
          %and3A_514 = arith.andi %add3A_511, %and3A_513 : vector<16xi32>
          %mul3A_515 = arith.mulf %gather3A_477, %gather3A_482 : vector<16xf32>
          %add3A_516 = arith.addf %add3A_464, %mul3A_515 : vector<16xf32>
          %mul3A_517 = arith.mulf %gather3A_498, %gather3A_503 : vector<16xf32>
          %add3A_518 = arith.addf %add3A_466, %mul3A_517 : vector<16xf32>
          %mul3A_519 = arith.mulf %gather3A_477, %gather3A_487 : vector<16xf32>
          %add3A_520 = arith.addf %add3A_468, %mul3A_519 : vector<16xf32>
          %mul3A_521 = arith.mulf %gather3A_498, %gather3A_508 : vector<16xf32>
          %add3A_522 = arith.addf %add3A_470, %mul3A_521 : vector<16xf32>
          scf.yield %and3A_514, %add3A_516, %add3A_518, %add3A_520, %add3A_522 : vector<16xi32>, vector<16xf32>, vector<16xf32>, vector<16xf32>, vector<16xf32>
        }
        %scan3A_407 = arith.constant 64 : i32
        %mul3A_408 = arith.constant 16 : i32
        %mul3A_409 = arith.muli %scan3A_396, %mul3A_408 : i32
        %add3A_410 = arith.addi %mul3A_321, %mul3A_409 : i32
        %add3A_411 = arith.addf %scan3A_406#1, %scan3A_406#2 : vector<16xf32>
        %swap3A = arith.index_cast %add3A_410 : i32 to index
        %swap3A_412 = tpu.vector_load %arg15[%swap3A] {strides = array<i32>} : memref<512xf32, #tpu.memory_space<vmem>>, vector<16xf32>,
        tpu.vector_store %arg15[%swap3A], %add3A_411 {strides = array<i32>} : memref<512xf32, #tpu.memory_space<vmem>>, vector<16xf32>,
        %add3A_413 = arith.addf %scan3A_406#3, %scan3A_406#4 : vector<16xf32>
        %swap3A_414 = arith.index_cast %add3A_410 : i32 to index
        %swap3A_415 = tpu.vector_load %arg16[%swap3A_414] {strides = array<i32>} : memref<512xf32, #tpu.memory_space<vmem>>, vector<16xf32>,
        tpu.vector_store %arg16[%swap3A_414], %add3A_413 {strides = array<i32>} : memref<512xf32, #tpu.memory_space<vmem>>, vector<16xf32>,
        %scan3A_416 = arith.constant 0 : i32
        scf.yield %scan3A_416 : i32
      }
      %scan3A_331 = arith.constant 4 : i32
      %mul3A_332 = arith.constant 4 : i32
      %mul3A_333 = arith.muli %scan3A_145, %mul3A_332 : i32
      %add3A_334 = arith.constant 3 : i32
      %add3A_335 = arith.addi %mul3A_333, %add3A_334 : i32
      %add3A_336 = arith.constant 4 : i32
      %add3A_337 = arith.addi %add3A_335, %add3A_336 : i32
      %sub3A_338 = arith.constant 1 : i32
      %sub3A_339 = arith.subi %add3A_337, %sub3A_338 : i32
      %lt3A_340 = arith.constant 8 : i32
      %lt3A_341 = arith.cmpi slt, %sub3A_339, %lt3A_340 : i32
      %convert_element_type3A_342 = arith.extui %lt3A_341 : i1 to i32
      %cond3A_343 = arith.constant 0 : i32
      %cond3A_344 = arith.cmpi ne, %convert_element_type3A_342, %cond3A_343 : i32
      scf.if %cond3A_344 {
        %jit3A = arith.constant 4 : i32
        %eq3A = arith.constant 0 : i32
        %eq3A_396 = arith.cmpi eq, %jit3A, %eq3A : i32
        %jit3A_397 = arith.constant 1 : i32
        %select_n3A = arith.select %eq3A_396, %jit3A_397, %jit3A : i32
        %rem3A = arith.remsi %sub3A_339, %select_n3A : i32
        %ne3A = arith.constant 0 : i32
        %ne3A_398 = arith.cmpi ne, %rem3A, %ne3A : i32
        %lt3A_399 = arith.constant 0 : i32
        %lt3A_400 = arith.cmpi slt, %rem3A, %lt3A_399 : i32
        %lt3A_401 = arith.constant 0 : i32
        %lt3A_402 = arith.cmpi slt, %select_n3A, %lt3A_401 : i32
        %ne3A_403 = arith.xori %lt3A_400, %lt3A_402 : i1
        %and3A = arith.andi %ne3A_403, %ne3A_398 : i1
        %add3A_404 = arith.addi %rem3A, %select_n3A : i32
        %select_n3A_405 = arith.select %and3A, %add3A_404, %rem3A : i32
        %mul3A_406 = arith.constant 64 : i32
        %mul3A_407 = arith.muli %sub3A_339, %mul3A_406 : i32
        %dma_start3A_408 = arith.constant 0 : i32
        %dma_start3A_409 = arith.constant 0 : i32
        %dma_start3A_410 = tpu.memref_slice %arg12[%select_n3A_405, %dma_start3A_408, %dma_start3A_409] : memref<4x64x128xf32, #tpu.memory_space<vmem>> -> memref<1x64x128xf32, #tpu.memory_space<vmem>>
        %dma_start3A_411 = tpu.memref_squeeze %dma_start3A_410 : memref<1x64x128xf32, #tpu.memory_space<vmem>> -> memref<64x128xf32, #tpu.memory_space<vmem>>
        %dma_start3A_412 = tpu.memref_slice %arg9[%mul3A_407] : memref<512xi32, #tpu.memory_space<vmem>> -> memref<64xi32, #tpu.memory_space<vmem>>
        %dma_start3A_413 = arith.constant 0 : i32
        %dma_start3A_414 = arith.constant 0 : i32
        %dma_start3A_415 = tpu.memref_slice %arg5[%dma_start3A_413, %dma_start3A_414] : memref<1000000x128xf32, #tpu.memory_space<hbm>> -> memref<1000000x128xf32, #tpu.memory_space<hbm>>
        %dma_start3A_416 = tpu.memref_slice %arg17[%select_n3A_405] : memref<4x!tpu.dma_semaphore, #tpu.memory_space<semaphore_mem>> -> memref<1x!tpu.dma_semaphore, #tpu.memory_space<semaphore_mem>>
        %dma_start3A_417 = tpu.memref_squeeze %dma_start3A_416 : memref<1x!tpu.dma_semaphore, #tpu.memory_space<semaphore_mem>> -> memref<!tpu.dma_semaphore, #tpu.memory_space<semaphore_mem>>
        tpu.enqueue_indirect_dma source(%dma_start3A_415 : memref<1000000x128xf32, #tpu.memory_space<hbm>>) target(%dma_start3A_411 : memref<64x128xf32, #tpu.memory_space<vmem>>) offsets(%dma_start3A_412 : memref<64xi32, #tpu.memory_space<vmem>>) semaphore(%dma_start3A_417 : memref<!tpu.dma_semaphore, #tpu.memory_space<semaphore_mem>>)
        %dma_start3A_418 = arith.constant 0 : i32
        %dma_start3A_419 = arith.constant 0 : i32
        %dma_start3A_420 = tpu.memref_slice %arg13[%select_n3A_405, %dma_start3A_418, %dma_start3A_419] : memref<4x64x128xf32, #tpu.memory_space<vmem>> -> memref<1x64x128xf32, #tpu.memory_space<vmem>>
        %dma_start3A_421 = tpu.memref_squeeze %dma_start3A_420 : memref<1x64x128xf32, #tpu.memory_space<vmem>> -> memref<64x128xf32, #tpu.memory_space<vmem>>
        %dma_start3A_422 = tpu.memref_slice %arg10[%mul3A_407] : memref<512xi32, #tpu.memory_space<vmem>> -> memref<64xi32, #tpu.memory_space<vmem>>
        %dma_start3A_423 = arith.constant 0 : i32
        %dma_start3A_424 = arith.constant 0 : i32
        %dma_start3A_425 = tpu.memref_slice %arg6[%dma_start3A_423, %dma_start3A_424] : memref<1000000x128xf32, #tpu.memory_space<hbm>> -> memref<1000000x128xf32, #tpu.memory_space<hbm>>
        %dma_start3A_426 = tpu.memref_slice %arg17[%select_n3A_405] : memref<4x!tpu.dma_semaphore, #tpu.memory_space<semaphore_mem>> -> memref<1x!tpu.dma_semaphore, #tpu.memory_space<semaphore_mem>>
        %dma_start3A_427 = tpu.memref_squeeze %dma_start3A_426 : memref<1x!tpu.dma_semaphore, #tpu.memory_space<semaphore_mem>> -> memref<!tpu.dma_semaphore, #tpu.memory_space<semaphore_mem>>
        tpu.enqueue_indirect_dma source(%dma_start3A_425 : memref<1000000x128xf32, #tpu.memory_space<hbm>>) target(%dma_start3A_421 : memref<64x128xf32, #tpu.memory_space<vmem>>) offsets(%dma_start3A_422 : memref<64xi32, #tpu.memory_space<vmem>>) semaphore(%dma_start3A_427 : memref<!tpu.dma_semaphore, #tpu.memory_space<semaphore_mem>>)
        %dma_start3A_428 = arith.constant 0 : i32
        %dma_start3A_429 = arith.constant 0 : i32
        %dma_start3A_430 = tpu.memref_slice %arg14[%select_n3A_405, %dma_start3A_428, %dma_start3A_429] : memref<4x64x128xf32, #tpu.memory_space<vmem>> -> memref<1x64x128xf32, #tpu.memory_space<vmem>>
        %dma_start3A_431 = tpu.memref_squeeze %dma_start3A_430 : memref<1x64x128xf32, #tpu.memory_space<vmem>> -> memref<64x128xf32, #tpu.memory_space<vmem>>
        %dma_start3A_432 = tpu.memref_slice %arg11[%mul3A_407] : memref<512xi32, #tpu.memory_space<vmem>> -> memref<64xi32, #tpu.memory_space<vmem>>
        %dma_start3A_433 = arith.constant 0 : i32
        %dma_start3A_434 = arith.constant 0 : i32
        %dma_start3A_435 = tpu.memref_slice %arg6[%dma_start3A_433, %dma_start3A_434] : memref<1000000x128xf32, #tpu.memory_space<hbm>> -> memref<1000000x128xf32, #tpu.memory_space<hbm>>
        %dma_start3A_436 = tpu.memref_slice %arg17[%select_n3A_405] : memref<4x!tpu.dma_semaphore, #tpu.memory_space<semaphore_mem>> -> memref<1x!tpu.dma_semaphore, #tpu.memory_space<semaphore_mem>>
        %dma_start3A_437 = tpu.memref_squeeze %dma_start3A_436 : memref<1x!tpu.dma_semaphore, #tpu.memory_space<semaphore_mem>> -> memref<!tpu.dma_semaphore, #tpu.memory_space<semaphore_mem>>
        tpu.enqueue_indirect_dma source(%dma_start3A_435 : memref<1000000x128xf32, #tpu.memory_space<hbm>>) target(%dma_start3A_431 : memref<64x128xf32, #tpu.memory_space<vmem>>) offsets(%dma_start3A_432 : memref<64xi32, #tpu.memory_space<vmem>>) semaphore(%dma_start3A_437 : memref<!tpu.dma_semaphore, #tpu.memory_space<semaphore_mem>>)
      } else {
      }
      %mul3A_345 = arith.constant 64 : i32
      %mul3A_346 = arith.muli %add3A_335, %mul3A_345 : i32
      %dma_wait3A_347 = arith.constant 3 : i32
      %dma_wait3A_348 = arith.constant 3 : i32
      %dma_wait3A_349 = arith.constant 0 : i32
      %dma_wait3A_350 = arith.constant 0 : i32
      %dma_wait3A_351 = tpu.memref_slice %arg12[%dma_wait3A_347, %dma_wait3A_349, %dma_wait3A_350] : memref<4x64x128xf32, #tpu.memory_space<vmem>> -> memref<1x64x128xf32, #tpu.memory_space<vmem>>
      %dma_wait3A_352 = tpu.memref_squeeze %dma_wait3A_351 : memref<1x64x128xf32, #tpu.memory_space<vmem>> -> memref<64x128xf32, #tpu.memory_space<vmem>>
      %dma_wait3A_353 = tpu.memref_slice %arg9[%mul3A_346] : memref<512xi32, #tpu.memory_space<vmem>> -> memref<64xi32, #tpu.memory_space<vmem>>
      %dma_wait3A_354 = arith.constant 0 : i32
      %dma_wait3A_355 = arith.constant 0 : i32
      %dma_wait3A_356 = tpu.memref_slice %arg5[%dma_wait3A_354, %dma_wait3A_355] : memref<1000000x128xf32, #tpu.memory_space<hbm>> -> memref<1000000x128xf32, #tpu.memory_space<hbm>>
      %dma_wait3A_357 = tpu.memref_slice %arg17[%dma_wait3A_348] : memref<4x!tpu.dma_semaphore, #tpu.memory_space<semaphore_mem>> -> memref<1x!tpu.dma_semaphore, #tpu.memory_space<semaphore_mem>>
      %dma_wait3A_358 = tpu.memref_squeeze %dma_wait3A_357 : memref<1x!tpu.dma_semaphore, #tpu.memory_space<semaphore_mem>> -> memref<!tpu.dma_semaphore, #tpu.memory_space<semaphore_mem>>
      tpu.wait_indirect_dma semaphore(%dma_wait3A_358 : memref<!tpu.dma_semaphore, #tpu.memory_space<semaphore_mem>>) src(%dma_wait3A_356 : memref<1000000x128xf32, #tpu.memory_space<hbm>>) dst(%dma_wait3A_352 : memref<64x128xf32, #tpu.memory_space<vmem>>)
      %dma_wait3A_359 = arith.constant 3 : i32
      %dma_wait3A_360 = arith.constant 3 : i32
      %dma_wait3A_361 = arith.constant 0 : i32
      %dma_wait3A_362 = arith.constant 0 : i32
      %dma_wait3A_363 = tpu.memref_slice %arg13[%dma_wait3A_359, %dma_wait3A_361, %dma_wait3A_362] : memref<4x64x128xf32, #tpu.memory_space<vmem>> -> memref<1x64x128xf32, #tpu.memory_space<vmem>>
      %dma_wait3A_364 = tpu.memref_squeeze %dma_wait3A_363 : memref<1x64x128xf32, #tpu.memory_space<vmem>> -> memref<64x128xf32, #tpu.memory_space<vmem>>
      %dma_wait3A_365 = tpu.memref_slice %arg10[%mul3A_346] : memref<512xi32, #tpu.memory_space<vmem>> -> memref<64xi32, #tpu.memory_space<vmem>>
      %dma_wait3A_366 = arith.constant 0 : i32
      %dma_wait3A_367 = arith.constant 0 : i32
      %dma_wait3A_368 = tpu.memref_slice %arg6[%dma_wait3A_366, %dma_wait3A_367] : memref<1000000x128xf32, #tpu.memory_space<hbm>> -> memref<1000000x128xf32, #tpu.memory_space<hbm>>
      %dma_wait3A_369 = tpu.memref_slice %arg17[%dma_wait3A_360] : memref<4x!tpu.dma_semaphore, #tpu.memory_space<semaphore_mem>> -> memref<1x!tpu.dma_semaphore, #tpu.memory_space<semaphore_mem>>
      %dma_wait3A_370 = tpu.memref_squeeze %dma_wait3A_369 : memref<1x!tpu.dma_semaphore, #tpu.memory_space<semaphore_mem>> -> memref<!tpu.dma_semaphore, #tpu.memory_space<semaphore_mem>>
      tpu.wait_indirect_dma semaphore(%dma_wait3A_370 : memref<!tpu.dma_semaphore, #tpu.memory_space<semaphore_mem>>) src(%dma_wait3A_368 : memref<1000000x128xf32, #tpu.memory_space<hbm>>) dst(%dma_wait3A_364 : memref<64x128xf32, #tpu.memory_space<vmem>>)
      %dma_wait3A_371 = arith.constant 3 : i32
      %dma_wait3A_372 = arith.constant 3 : i32
      %dma_wait3A_373 = arith.constant 0 : i32
      %dma_wait3A_374 = arith.constant 0 : i32
      %dma_wait3A_375 = tpu.memref_slice %arg14[%dma_wait3A_371, %dma_wait3A_373, %dma_wait3A_374] : memref<4x64x128xf32, #tpu.memory_space<vmem>> -> memref<1x64x128xf32, #tpu.memory_space<vmem>>
      %dma_wait3A_376 = tpu.memref_squeeze %dma_wait3A_375 : memref<1x64x128xf32, #tpu.memory_space<vmem>> -> memref<64x128xf32, #tpu.memory_space<vmem>>
      %dma_wait3A_377 = tpu.memref_slice %arg11[%mul3A_346] : memref<512xi32, #tpu.memory_space<vmem>> -> memref<64xi32, #tpu.memory_space<vmem>>
      %dma_wait3A_378 = arith.constant 0 : i32
      %dma_wait3A_379 = arith.constant 0 : i32
      %dma_wait3A_380 = tpu.memref_slice %arg6[%dma_wait3A_378, %dma_wait3A_379] : memref<1000000x128xf32, #tpu.memory_space<hbm>> -> memref<1000000x128xf32, #tpu.memory_space<hbm>>
      %dma_wait3A_381 = tpu.memref_slice %arg17[%dma_wait3A_372] : memref<4x!tpu.dma_semaphore, #tpu.memory_space<semaphore_mem>> -> memref<1x!tpu.dma_semaphore, #tpu.memory_space<semaphore_mem>>
      %dma_wait3A_382 = tpu.memref_squeeze %dma_wait3A_381 : memref<1x!tpu.dma_semaphore, #tpu.memory_space<semaphore_mem>> -> memref<!tpu.dma_semaphore, #tpu.memory_space<semaphore_mem>>
      tpu.wait_indirect_dma semaphore(%dma_wait3A_382 : memref<!tpu.dma_semaphore, #tpu.memory_space<semaphore_mem>>) src(%dma_wait3A_380 : memref<1000000x128xf32, #tpu.memory_space<hbm>>) dst(%dma_wait3A_376 : memref<64x128xf32, #tpu.memory_space<vmem>>)
      %mul3A_383 = arith.constant 64 : i32
      %mul3A_384 = arith.muli %add3A_335, %mul3A_383 : i32
      %scan3A_385 = arith.constant 3 : i32
      %scan3A_386 = arith.constant 3 : i32
      %scan3A_387 = arith.constant 3 : i32
      %scan3A_388 = arith.constant 0 : i32
      %scan3A_389 = arith.constant 0 : i32
      %scan3A_390 = arith.constant 4 : i32
      %scan3A_391 = arith.addi %scan3A_389, %scan3A_390 : i32
      %scan3A_392 = arith.constant 1 : i32
      %scan3A_393 = scf.for %scan3A_396 = %scan3A_389 to %scan3A_391 step %scan3A_392 iter_args(%scan3A_397 = %scan3A_388) -> (i32)  : i32 {
        %mul3A_398 = arith.constant 16 : i32
        %mul3A_399 = arith.muli %scan3A_396, %mul3A_398 : i32
        %add3A_400 = vector.broadcast %mul3A_399 : i32 to vector<16xi32>
        %add3A_401 = arith.addi %add3A_400, %iota3A : vector<16xi32>
        %scan3A_402 = arith.constant 0 : i32
        %scan3A_403 = arith.constant 64 : i32
        %scan3A_404 = arith.addi %scan3A_402, %scan3A_403 : i32
        %scan3A_405 = arith.constant 2 : i32
        %scan3A_406:5 = scf.for %scan3A_417 = %scan3A_402 to %scan3A_404 step %scan3A_405 iter_args(%scan3A_418 = %iota3A, %scan3A_419 = %broadcast_in_dim3A_13, %scan3A_420 = %broadcast_in_dim3A_13, %scan3A_421 = %broadcast_in_dim3A_13, %scan3A_422 = %broadcast_in_dim3A_13) -> (vector<16xi32>, vector<16xf32>, vector<16xf32>, vector<16xf32>, vector<16xf32>)  : i32 {
          %gather3A = arith.constant 0 : i32
          %gather3A_423 = arith.constant 0 : i32
          %gather3A_424 = tpu.memref_slice %arg12[%scan3A_385, %gather3A, %gather3A_423] : memref<4x64x128xf32, #tpu.memory_space<vmem>> -> memref<1x64x128xf32, #tpu.memory_space<vmem>>
          %gather3A_425 = tpu.memref_squeeze %gather3A_424 : memref<1x64x128xf32, #tpu.memory_space<vmem>> -> memref<64x128xf32, #tpu.memory_space<vmem>>
          %gather3A_426 = tpu.vector_load_idx %gather3A_425[%add3A_401, %scan3A_418] : memref<64x128xf32, #tpu.memory_space<vmem>>[vector<16xi32>, vector<16xi32>], vector<16xf32>,
          %gather3A_427 = arith.constant 0 : i32
          %gather3A_428 = arith.constant 0 : i32
          %gather3A_429 = tpu.memref_slice %arg13[%scan3A_386, %gather3A_427, %gather3A_428] : memref<4x64x128xf32, #tpu.memory_space<vmem>> -> memref<1x64x128xf32, #tpu.memory_space<vmem>>
          %gather3A_430 = tpu.memref_squeeze %gather3A_429 : memref<1x64x128xf32, #tpu.memory_space<vmem>> -> memref<64x128xf32, #tpu.memory_space<vmem>>
          %gather3A_431 = tpu.vector_load_idx %gather3A_430[%add3A_401, %scan3A_418] : memref<64x128xf32, #tpu.memory_space<vmem>>[vector<16xi32>, vector<16xi32>], vector<16xf32>,
          %gather3A_432 = arith.constant 0 : i32
          %gather3A_433 = arith.constant 0 : i32
          %gather3A_434 = tpu.memref_slice %arg14[%scan3A_387, %gather3A_432, %gather3A_433] : memref<4x64x128xf32, #tpu.memory_space<vmem>> -> memref<1x64x128xf32, #tpu.memory_space<vmem>>
          %gather3A_435 = tpu.memref_squeeze %gather3A_434 : memref<1x64x128xf32, #tpu.memory_space<vmem>> -> memref<64x128xf32, #tpu.memory_space<vmem>>
          %gather3A_436 = tpu.vector_load_idx %gather3A_435[%add3A_401, %scan3A_418] : memref<64x128xf32, #tpu.memory_space<vmem>>[vector<16xi32>, vector<16xi32>], vector<16xf32>,
          %add3A_437 = arith.constant 1 : i32
          %add3A_438 = vector.broadcast %add3A_437 : i32 to vector<16xi32>
          %add3A_439 = arith.addi %scan3A_418, %add3A_438 : vector<16xi32>
          %and3A = arith.constant 127 : i32
          %and3A_440 = vector.broadcast %and3A : i32 to vector<16xi32>
          %and3A_441 = arith.andi %add3A_439, %and3A_440 : vector<16xi32>
          %gather3A_442 = arith.constant 0 : i32
          %gather3A_443 = arith.constant 0 : i32
          %gather3A_444 = tpu.memref_slice %arg12[%scan3A_385, %gather3A_442, %gather3A_443] : memref<4x64x128xf32, #tpu.memory_space<vmem>> -> memref<1x64x128xf32, #tpu.memory_space<vmem>>
          %gather3A_445 = tpu.memref_squeeze %gather3A_444 : memref<1x64x128xf32, #tpu.memory_space<vmem>> -> memref<64x128xf32, #tpu.memory_space<vmem>>
          %gather3A_446 = tpu.vector_load_idx %gather3A_445[%add3A_401, %and3A_441] : memref<64x128xf32, #tpu.memory_space<vmem>>[vector<16xi32>, vector<16xi32>], vector<16xf32>,
          %gather3A_447 = arith.constant 0 : i32
          %gather3A_448 = arith.constant 0 : i32
          %gather3A_449 = tpu.memref_slice %arg13[%scan3A_386, %gather3A_447, %gather3A_448] : memref<4x64x128xf32, #tpu.memory_space<vmem>> -> memref<1x64x128xf32, #tpu.memory_space<vmem>>
          %gather3A_450 = tpu.memref_squeeze %gather3A_449 : memref<1x64x128xf32, #tpu.memory_space<vmem>> -> memref<64x128xf32, #tpu.memory_space<vmem>>
          %gather3A_451 = tpu.vector_load_idx %gather3A_450[%add3A_401, %and3A_441] : memref<64x128xf32, #tpu.memory_space<vmem>>[vector<16xi32>, vector<16xi32>], vector<16xf32>,
          %gather3A_452 = arith.constant 0 : i32
          %gather3A_453 = arith.constant 0 : i32
          %gather3A_454 = tpu.memref_slice %arg14[%scan3A_387, %gather3A_452, %gather3A_453] : memref<4x64x128xf32, #tpu.memory_space<vmem>> -> memref<1x64x128xf32, #tpu.memory_space<vmem>>
          %gather3A_455 = tpu.memref_squeeze %gather3A_454 : memref<1x64x128xf32, #tpu.memory_space<vmem>> -> memref<64x128xf32, #tpu.memory_space<vmem>>
          %gather3A_456 = tpu.vector_load_idx %gather3A_455[%add3A_401, %and3A_441] : memref<64x128xf32, #tpu.memory_space<vmem>>[vector<16xi32>, vector<16xi32>], vector<16xf32>,
          %add3A_457 = arith.constant 1 : i32
          %add3A_458 = vector.broadcast %add3A_457 : i32 to vector<16xi32>
          %add3A_459 = arith.addi %and3A_441, %add3A_458 : vector<16xi32>
          %and3A_460 = arith.constant 127 : i32
          %and3A_461 = vector.broadcast %and3A_460 : i32 to vector<16xi32>
          %and3A_462 = arith.andi %add3A_459, %and3A_461 : vector<16xi32>
          %mul3A_463 = arith.mulf %gather3A_426, %gather3A_431 : vector<16xf32>
          %add3A_464 = arith.addf %scan3A_419, %mul3A_463 : vector<16xf32>
          %mul3A_465 = arith.mulf %gather3A_446, %gather3A_451 : vector<16xf32>
          %add3A_466 = arith.addf %scan3A_420, %mul3A_465 : vector<16xf32>
          %mul3A_467 = arith.mulf %gather3A_426, %gather3A_436 : vector<16xf32>
          %add3A_468 = arith.addf %scan3A_421, %mul3A_467 : vector<16xf32>
          %mul3A_469 = arith.mulf %gather3A_446, %gather3A_456 : vector<16xf32>
          %add3A_470 = arith.addf %scan3A_422, %mul3A_469 : vector<16xf32>
          %scan3A_471 = arith.constant 1 : i32
          %scan3A_472 = arith.addi %scan3A_417, %scan3A_471 : i32
          %gather3A_473 = arith.constant 0 : i32
          %gather3A_474 = arith.constant 0 : i32
          %gather3A_475 = tpu.memref_slice %arg12[%scan3A_385, %gather3A_473, %gather3A_474] : memref<4x64x128xf32, #tpu.memory_space<vmem>> -> memref<1x64x128xf32, #tpu.memory_space<vmem>>
          %gather3A_476 = tpu.memref_squeeze %gather3A_475 : memref<1x64x128xf32, #tpu.memory_space<vmem>> -> memref<64x128xf32, #tpu.memory_space<vmem>>
          %gather3A_477 = tpu.vector_load_idx %gather3A_476[%add3A_401, %and3A_462] : memref<64x128xf32, #tpu.memory_space<vmem>>[vector<16xi32>, vector<16xi32>], vector<16xf32>,
          %gather3A_478 = arith.constant 0 : i32
          %gather3A_479 = arith.constant 0 : i32
          %gather3A_480 = tpu.memref_slice %arg13[%scan3A_386, %gather3A_478, %gather3A_479] : memref<4x64x128xf32, #tpu.memory_space<vmem>> -> memref<1x64x128xf32, #tpu.memory_space<vmem>>
          %gather3A_481 = tpu.memref_squeeze %gather3A_480 : memref<1x64x128xf32, #tpu.memory_space<vmem>> -> memref<64x128xf32, #tpu.memory_space<vmem>>
          %gather3A_482 = tpu.vector_load_idx %gather3A_481[%add3A_401, %and3A_462] : memref<64x128xf32, #tpu.memory_space<vmem>>[vector<16xi32>, vector<16xi32>], vector<16xf32>,
          %gather3A_483 = arith.constant 0 : i32
          %gather3A_484 = arith.constant 0 : i32
          %gather3A_485 = tpu.memref_slice %arg14[%scan3A_387, %gather3A_483, %gather3A_484] : memref<4x64x128xf32, #tpu.memory_space<vmem>> -> memref<1x64x128xf32, #tpu.memory_space<vmem>>
          %gather3A_486 = tpu.memref_squeeze %gather3A_485 : memref<1x64x128xf32, #tpu.memory_space<vmem>> -> memref<64x128xf32, #tpu.memory_space<vmem>>
          %gather3A_487 = tpu.vector_load_idx %gather3A_486[%add3A_401, %and3A_462] : memref<64x128xf32, #tpu.memory_space<vmem>>[vector<16xi32>, vector<16xi32>], vector<16xf32>,
          %add3A_488 = arith.constant 1 : i32
          %add3A_489 = vector.broadcast %add3A_488 : i32 to vector<16xi32>
          %add3A_490 = arith.addi %and3A_462, %add3A_489 : vector<16xi32>
          %and3A_491 = arith.constant 127 : i32
          %and3A_492 = vector.broadcast %and3A_491 : i32 to vector<16xi32>
          %and3A_493 = arith.andi %add3A_490, %and3A_492 : vector<16xi32>
          %gather3A_494 = arith.constant 0 : i32
          %gather3A_495 = arith.constant 0 : i32
          %gather3A_496 = tpu.memref_slice %arg12[%scan3A_385, %gather3A_494, %gather3A_495] : memref<4x64x128xf32, #tpu.memory_space<vmem>> -> memref<1x64x128xf32, #tpu.memory_space<vmem>>
          %gather3A_497 = tpu.memref_squeeze %gather3A_496 : memref<1x64x128xf32, #tpu.memory_space<vmem>> -> memref<64x128xf32, #tpu.memory_space<vmem>>
          %gather3A_498 = tpu.vector_load_idx %gather3A_497[%add3A_401, %and3A_493] : memref<64x128xf32, #tpu.memory_space<vmem>>[vector<16xi32>, vector<16xi32>], vector<16xf32>,
          %gather3A_499 = arith.constant 0 : i32
          %gather3A_500 = arith.constant 0 : i32
          %gather3A_501 = tpu.memref_slice %arg13[%scan3A_386, %gather3A_499, %gather3A_500] : memref<4x64x128xf32, #tpu.memory_space<vmem>> -> memref<1x64x128xf32, #tpu.memory_space<vmem>>
          %gather3A_502 = tpu.memref_squeeze %gather3A_501 : memref<1x64x128xf32, #tpu.memory_space<vmem>> -> memref<64x128xf32, #tpu.memory_space<vmem>>
          %gather3A_503 = tpu.vector_load_idx %gather3A_502[%add3A_401, %and3A_493] : memref<64x128xf32, #tpu.memory_space<vmem>>[vector<16xi32>, vector<16xi32>], vector<16xf32>,
          %gather3A_504 = arith.constant 0 : i32
          %gather3A_505 = arith.constant 0 : i32
          %gather3A_506 = tpu.memref_slice %arg14[%scan3A_387, %gather3A_504, %gather3A_505] : memref<4x64x128xf32, #tpu.memory_space<vmem>> -> memref<1x64x128xf32, #tpu.memory_space<vmem>>
          %gather3A_507 = tpu.memref_squeeze %gather3A_506 : memref<1x64x128xf32, #tpu.memory_space<vmem>> -> memref<64x128xf32, #tpu.memory_space<vmem>>
          %gather3A_508 = tpu.vector_load_idx %gather3A_507[%add3A_401, %and3A_493] : memref<64x128xf32, #tpu.memory_space<vmem>>[vector<16xi32>, vector<16xi32>], vector<16xf32>,
          %add3A_509 = arith.constant 1 : i32
          %add3A_510 = vector.broadcast %add3A_509 : i32 to vector<16xi32>
          %add3A_511 = arith.addi %and3A_493, %add3A_510 : vector<16xi32>
          %and3A_512 = arith.constant 127 : i32
          %and3A_513 = vector.broadcast %and3A_512 : i32 to vector<16xi32>
          %and3A_514 = arith.andi %add3A_511, %and3A_513 : vector<16xi32>
          %mul3A_515 = arith.mulf %gather3A_477, %gather3A_482 : vector<16xf32>
          %add3A_516 = arith.addf %add3A_464, %mul3A_515 : vector<16xf32>
          %mul3A_517 = arith.mulf %gather3A_498, %gather3A_503 : vector<16xf32>
          %add3A_518 = arith.addf %add3A_466, %mul3A_517 : vector<16xf32>
          %mul3A_519 = arith.mulf %gather3A_477, %gather3A_487 : vector<16xf32>
          %add3A_520 = arith.addf %add3A_468, %mul3A_519 : vector<16xf32>
          %mul3A_521 = arith.mulf %gather3A_498, %gather3A_508 : vector<16xf32>
          %add3A_522 = arith.addf %add3A_470, %mul3A_521 : vector<16xf32>
          scf.yield %and3A_514, %add3A_516, %add3A_518, %add3A_520, %add3A_522 : vector<16xi32>, vector<16xf32>, vector<16xf32>, vector<16xf32>, vector<16xf32>
        }
        %scan3A_407 = arith.constant 64 : i32
        %mul3A_408 = arith.constant 16 : i32
        %mul3A_409 = arith.muli %scan3A_396, %mul3A_408 : i32
        %add3A_410 = arith.addi %mul3A_384, %mul3A_409 : i32
        %add3A_411 = arith.addf %scan3A_406#1, %scan3A_406#2 : vector<16xf32>
        %swap3A = arith.index_cast %add3A_410 : i32 to index
        %swap3A_412 = tpu.vector_load %arg15[%swap3A] {strides = array<i32>} : memref<512xf32, #tpu.memory_space<vmem>>, vector<16xf32>,
        tpu.vector_store %arg15[%swap3A], %add3A_411 {strides = array<i32>} : memref<512xf32, #tpu.memory_space<vmem>>, vector<16xf32>,
        %add3A_413 = arith.addf %scan3A_406#3, %scan3A_406#4 : vector<16xf32>
        %swap3A_414 = arith.index_cast %add3A_410 : i32 to index
        %swap3A_415 = tpu.vector_load %arg16[%swap3A_414] {strides = array<i32>} : memref<512xf32, #tpu.memory_space<vmem>>, vector<16xf32>,
        tpu.vector_store %arg16[%swap3A_414], %add3A_413 {strides = array<i32>} : memref<512xf32, #tpu.memory_space<vmem>>, vector<16xf32>,
        %scan3A_416 = arith.constant 0 : i32
        scf.yield %scan3A_416 : i32
      }
      %scan3A_394 = arith.constant 4 : i32
      %scan3A_395 = arith.constant 0 : i32
      scf.yield %scan3A_395 : i32
    }
    %scan3A_136 = arith.constant 2 : i32
    %dma_start3A_137 = tpu.memref_slice %arg7[%mul3A_2] : memref<16384xf32, #tpu.memory_space<hbm>> -> memref<512xf32, #tpu.memory_space<hbm>>
    %dma_start3A_138 = tpu.memref_slice %arg7[%mul3A_2] : memref<16384xf32, #tpu.memory_space<hbm>> -> memref<512xf32, #tpu.memory_space<hbm>>
    tpu.enqueue_dma source(%arg15 : memref<512xf32, #tpu.memory_space<vmem>>) target(%dma_start3A_138 : memref<512xf32, #tpu.memory_space<hbm>>) target_semaphore(%arg18 : memref<!tpu.dma_semaphore, #tpu.memory_space<semaphore_mem>>)
    %dma_start3A_139 = tpu.memref_slice %arg8[%mul3A_2] : memref<16384xf32, #tpu.memory_space<hbm>> -> memref<512xf32, #tpu.memory_space<hbm>>
    %dma_start3A_140 = tpu.memref_slice %arg8[%mul3A_2] : memref<16384xf32, #tpu.memory_space<hbm>> -> memref<512xf32, #tpu.memory_space<hbm>>
    tpu.enqueue_dma source(%arg16 : memref<512xf32, #tpu.memory_space<vmem>>) target(%dma_start3A_140 : memref<512xf32, #tpu.memory_space<hbm>>) target_semaphore(%arg18 : memref<!tpu.dma_semaphore, #tpu.memory_space<semaphore_mem>>)
    %dma_wait3A_141 = tpu.memref_slice %arg7[%mul3A_2] : memref<16384xf32, #tpu.memory_space<hbm>> -> memref<512xf32, #tpu.memory_space<hbm>>
    %dma_wait3A_142 = tpu.memref_slice %arg7[%mul3A_2] : memref<16384xf32, #tpu.memory_space<hbm>> -> memref<512xf32, #tpu.memory_space<hbm>>
    tpu.wait_dma2 semaphore(%arg18 : memref<!tpu.dma_semaphore, #tpu.memory_space<semaphore_mem>>) src(%arg15 : memref<512xf32, #tpu.memory_space<vmem>>) dst(%dma_wait3A_142 : memref<512xf32, #tpu.memory_space<hbm>>)
    %dma_wait3A_143 = tpu.memref_slice %arg8[%mul3A_2] : memref<16384xf32, #tpu.memory_space<hbm>> -> memref<512xf32, #tpu.memory_space<hbm>>
    %dma_wait3A_144 = tpu.memref_slice %arg8[%mul3A_2] : memref<16384xf32, #tpu.memory_space<hbm>> -> memref<512xf32, #tpu.memory_space<hbm>>
    tpu.wait_dma2 semaphore(%arg18 : memref<!tpu.dma_semaphore, #tpu.memory_space<semaphore_mem>>) src(%arg16 : memref<512xf32, #tpu.memory_space<vmem>>) dst(%dma_wait3A_144 : memref<512xf32, #tpu.memory_space<hbm>>)
    return
  }
}

</mosaic_0001>

<sc_bundles>
// kernel: kernel.3.cloned.1.call-start
scs
__scs_entry_jumppad:
0x0: {  	(pc) =	sbr.rel $0x88, $3  }
0x1: {  	(tag) =	ssettag $0x0;
	lr =	simm.s32 $0x1  }
0x2: {  	[smem:$0x3F9C] =	sst lr;
	_ =	strace $0xD0000000  }
0x3: {  	_ = 	snop  }
0x4: {  	_ = 	snop  }
0x5: {  	_ = 	snop  }
0x6: {  	_ = 	snop  }
0x7: {  	_ = 	snop  }
__scs_overlays_trampoline_lowered:
0x8: {  	[smem:$0x3FAB] =	sst s0  }
0x9: {  	[smem:$0x3FAC] =	sst s1  }
0xa: {  	[smem:$0x3FAD] =	sst s2  }
0xb: {  	[smem:$0x3FAE] =	sst s3  }
0xc: {  	[smem:$0x3FAF] =	sst s4  }
0xd: {  	[smem:$0x3FB0] =	sst s5  }
0xe: {  	[smem:$0x3FB1] =	sst s6  }
0xf: {  	[smem:$0x3FB2] =	sst s7  }
0x10: {  	[smem:$0x3FB3] =	sst s8  }
0x11: {  	[smem:$0x3FB4] =	sst s9;
	s0 =	simm.s32 @!p0 $0x0  }
0x12: {  	s1 =	sld [smem:$0x3F9A];
	s0 =	simm.s32 @p0 $0x1  }
0x13: {  	[smem:$0x3FB5] =	sst s0;
	s0 =	simm.s32 @!p1 $0x0  }
0x14: {  	s2 =	sld [smem:$0x3F99];
	s0 =	simm.s32 @p1 $0x1  }
0x15: {  	[smem:$0x3FB6] =	sst s0;
	s0 =	simm.s32 @!p2 $0x0  }
0x16: {  	s3 =	sld [smem:$0x3FDB];
	s0 =	simm.s32 @p2 $0x1  }
0x17: {  	s4 =	simm.s32 $0x1BF5;
	[smem:$0x3FB8] =	sst s0  }
0x18: {  	s0 =	sld [smem:$0x3F9B];
	_ =	swait.ge [sflag:s4], $0x0  }
0x19: {  	s7 =	sld [smem:$0x3F9C]  }
0x1a: {  	s8 =	sadd.s32 $0xFFFFE003, lr  }
0x1b: {  	s9 =	sadd.s32 $0xFFFFFEF7, lr;
	s5 =	simm.s32 $0xFFFFFFFF;
	p2 =	slt.u32 s8, $0xFFFFF086  }
0x1c: {  	p1 =	slt.u32 s9, $0xF7A;
	s5 =	simm.s32 @!p2 $0x0  }
0x1d: {  	s5 =	simm.s32 @p1 $0x1;
	p0 =	seq.s32 s7, s2  }
0x1e: {  	s7 =	smul.u32 @!p0 $0xF7A, s2;
	p2 =	seq.s32 @!p0 s5, $0x0  }
0x1f: {  	s9 =	smul.u32 $0xF7A, s1;
	s8 =	simm.s32 @!p0 $0x1BF5;
	p2 =	por !p2, p0  }
0x20: {  	[sflag:s8] =	ssyncset.s32 @!p0 $0xFFFFF086;
	s6 =	sadd.s32 @!p0 s3, s7;
	s7 =	simm.s32 @!p0 $0x108  }
0x21: {  	s3 =	sadd.s32 s3, s9;
	s6 =	sadd.s32 @!p0 $0x88, s6;
	s7 =	simm.s32 @p2 $0x1082  }
0x22: {  	[simem:s7], [sflag:s8] =	dma.local @!p0 [hbm:s6], $0xF7A  }
0x23: {  	s9 =	sor.u32 $0xD0000000, s2;
	s6 =	simm.s32 $0x108;
	_ =	swait.ge @!p0 [sflag:s8], $0x0  }
0x24: {  	s3 =	sadd.s32 $0x88, s3;
	s6 =	simm.s32 @!p1 $0x1082;
	[sflag:s4] =	ssyncset.s32 $0xFFFFF086  }
0x25: {  	[simem:s6], [sflag:s4] =	dma.local [hbm:s3], $0xF7A  }
0x26: {  	[smem:$0x3F9C] =	sst s1;
	(tag) =	ssettag s2;
	_ =	strace s9  }
0x27: {  	s1 =	sld [smem:$0x3FAC]  }
0x28: {  	s2 =	sld [smem:$0x3FAD]  }
0x29: {  	s4 =	sld [smem:$0x3FAF]  }
0x2a: {  	p0 =	seq.s32 s5, $0x0;
	s5 =	sld [smem:$0x3FB0]  }
0x2b: {  	s6 =	sld [smem:$0x3FB1]  }
0x2c: {  	s7 =	sld [smem:$0x3FB2]  }
0x2d: {  	s3 =	simm.s32 $0x108;
	s8 =	sld [smem:$0x3FB3]  }
0x2e: {  	s3 =	simm.s32 @!p0 $0x1082;
	s9 =	sld [smem:$0x3FB4]  }
0x2f: {  	lr =	sadd.s32 s0, s3;
	s0 =	sld [smem:$0x3FAB]  }
0x30: {  	s3 =	sld [smem:$0x3FAE]  }
0x31: {  	[smem:$0x3FB7] =	sst s10  }
0x32: {  	s10 =	sld [smem:$0x3FB5];
	_ =	sdelay $0x3  }
0x33: {  	p0 =	seq.s32 s10, $0x1;
	s10 =	sld [smem:$0x3FB7];
	_ =	sdelay $0x3  }
0x34: {  	[smem:$0x3FB7] =	sst s10  }
0x35: {  	s10 =	sld [smem:$0x3FB6];
	_ =	sdelay $0x3  }
0x36: {  	p1 =	seq.s32 s10, $0x1;
	s10 =	sld [smem:$0x3FB7];
	_ =	sdelay $0x3  }
0x37: {  	[smem:$0x3FB7] =	sst s10  }
0x38: {  	s10 =	sld [smem:$0x3FB8]  }
0x39: {  	_ = 	snop;
	(pc) =	sbr.ind lr, $3  }
0x3a: {  	_ = 	snop  }
0x3b: {  	_ = 	snop  }
0x3c: {  	p2 =	seq.s32 s10, $0x1;
	s10 =	sld [smem:$0x3FB7]  }
0x3d: {  	_ =	shalt  }
0x3e: {  	_ =	shalt  }
0x3f: {  	_ =	shalt  }
0x40: {  	_ =	shalt  }
0x41: {  	_ =	shalt  }
0x42: {  	_ =	shalt  }
0x43: {  	_ =	shalt  }
0x44: {  	_ =	shalt  }
0x45: {  	_ =	shalt  }
0x46: {  	_ =	shalt  }
0x47: {  	_ =	shalt  }
0x48: {  	_ =	shalt  }
0x49: {  	_ =	shalt  }
0x4a: {  	_ =	shalt  }
0x4b: {  	_ =	shalt  }
0x4c: {  	_ =	shalt  }
0x4d: {  	_ =	shalt  }
0x4e: {  	_ =	shalt  }
0x4f: {  	_ =	shalt  }
0x50: {  	_ =	shalt  }
0x51: {  	_ =	shalt  }
0x52: {  	_ =	shalt  }
0x53: {  	_ =	shalt  }
0x54: {  	_ =	shalt  }
0x55: {  	_ =	shalt  }
0x56: {  	_ =	shalt  }
0x57: {  	_ =	shalt  }
0x58: {  	_ =	shalt  }
0x59: {  	_ =	shalt  }
0x5a: {  	_ =	shalt  }
0x5b: {  	_ =	shalt  }
0x5c: {  	_ =	shalt  }
0x5d: {  	_ =	shalt  }
0x5e: {  	_ =	shalt  }
0x5f: {  	_ =	shalt  }
0x60: {  	_ =	shalt  }
0x61: {  	_ =	shalt  }
0x62: {  	_ =	shalt  }
0x63: {  	_ =	shalt  }
0x64: {  	_ =	shalt  }
0x65: {  	_ =	shalt  }
0x66: {  	_ =	shalt  }
0x67: {  	_ =	shalt  }
0x68: {  	_ =	shalt  }
0x69: {  	_ =	shalt  }
0x6a: {  	_ =	shalt  }
0x6b: {  	_ =	shalt  }
0x6c: {  	_ =	shalt  }
0x6d: {  	_ =	shalt  }
0x6e: {  	_ =	shalt  }
0x6f: {  	_ =	shalt  }
0x70: {  	_ =	shalt  }
0x71: {  	_ =	shalt  }
0x72: {  	_ =	shalt  }
0x73: {  	_ =	shalt  }
0x74: {  	_ =	shalt  }
0x75: {  	_ =	shalt  }
0x76: {  	_ =	shalt  }
0x77: {  	_ =	shalt  }
0x78: {  	_ =	shalt  }
0x79: {  	_ =	shalt  }
0x7a: {  	_ =	shalt  }
0x7b: {  	_ =	shalt  }
0x7c: {  	_ =	shalt  }
0x7d: {  	_ =	shalt  }
0x7e: {  	_ =	shalt  }
0x7f: {  	_ =	shalt  }
0x80: {  	_ =	shalt  }
0x81: {  	_ =	shalt  }
0x82: {  	_ =	shalt  }
0x83: {  	_ =	shalt  }
0x84: {  	_ =	shalt  }
0x85: {  	_ =	shalt  }
0x86: {  	_ =	shalt  }
0x87: {  	_ =	shalt  }
.Lfunc_end0:
.L_simem_size_0:
called_computation_lowered:
.L_overlay_start_0:
0x88: {  	s2 =	sld [smem:$0x3FD9]  }
0x89: {  	s3 =	sld [smem:$0x3FFE];
	_ =	sdelay $0x1  }
0x8a: {  	s1 =	srdreg.scid  }
0x8b: {  	s0 =	sand.u32 $0x1, s1  }
0x8c: {  	s15 =	sshll.u32 s0, $0xA;
	s2 =	sadd.s32 s3, s2  }
0x8d: {  	s2 =	sadd.s32 s2, s15  }
0x8e: {  	[smem:$0x3FC3] =	sst s2  }
0x8f: {  	_ = 	snop  }
0x90: {  	s2 =	sld [smem:$0x3FC9]  }
0x91: {  	s16 =	sld [smem:$0x3FC8]  }
0x92: {  	s4 =	sld [smem:$0x3FD0]  }
0x93: {  	s5 =	sld [smem:$0x3FC7]  }
0x94: {  	s6 =	sld [smem:$0x3FC6]  }
0x95: {  	s8 =	simm.s32 $0xA;
	s9 =	simm.s32 $0x10;
	s7 =	sld [smem:$0x3FC5]  }
0x96: {  	[smem:s9], [sflag:s8] =	dma.local [hbm:s4], $0x1  }
0x97: {  	_ =	swait.eq [sflag:s8], $0x1  }
0x98: {  	[sflag:s8] =	ssyncset.done $0x0  }
0x99: {  	s17 =	sld [smem:$0x10];
	[sflag:s8] =	ssyncadd.s32 $0xFFFFFFFF  }
0x9a: {  	s18 =	sld [smem:$0x11];
	(tm) =	ssettm $0x1  }
0x9b: {  	s19 =	sld [smem:$0x3FFB];
	_ =	sdelay $0x3  }
0x9c: {  	_ =	strace s19  }
0x9d: {  	s9 =	sld [smem:$0x3FFC];
	_ =	sdelay $0x3  }
0x9e: {  	_ =	strace s9  }
0x9f: {  	s9 =	sld [smem:$0x3FFD];
	_ =	sdelay $0x3  }
0xa0: {  	_ =	strace s9  }
0xa1: {  	_ =	strace $0x8FFFFFFF  }
0xa2: {  	s20 =	sld [smem:$0x3FDB];
	_ =	sdelay $0x1  }
0xa3: {  	s10 =	simm.s32 $_scs_section_size  }
0xa4: {  	s11 =	simm.s32 $_size__tile_overlayer_lowered;
	s12 =	simm.s32 $_tile_overlayer_lowered  }
0xa5: {  	s23 =	simm.s32 $0x1BFF;
	s22 =	sshll.u32 s12, $0x1;
	s9 =	sadd.s32 s10, s20  }
0xa6: {  	s13 =	simm.s32 $0x0;
	s21 =	sshll.u32 s11, $0x1;
	s11 =	sadd.s32 s22, s9  }
0xa7: {  	[timem:s13], [sflag:s23] =	dma.local [hbm:s11], s21  }
0xa8: {  	_ =	swait.ge [sflag:s23], s21  }
0xa9: {  	s10 =	ssub.s32 $0x0, s21;
	[sflag:s23] =	ssyncset.done $0x0  }
0xaa: {  	[sflag:s23] =	ssyncadd.s32 s10;
	_ =	sdelay $0x1  }
0xab: {  	s24 =	simm.s32 $0x1B8B  }
0xac: {  	_ =	swait.ge [sflag:s24], $0x1  }
0xad: {  	[sflag:s24] =	ssyncset.done $0x0  }
0xae: {  	s25 =	simm.s32 $0x1B8E;
	[sflag:s24] =	ssyncadd.s32 $0xFFFFFFFF  }
0xaf: {  	s26 =	simm.s32 $execute0_lowered;
	[smem:$0x3FD2] =	sst s25  }
0xb0: {  	s10 =	sshll.u32 s26, $0x1;
	_ =	strace $0x80000046;
	[dreg:$0x1] =	wrdreg $0xFFFFFFFF  }
0xb1: {  	s28 =	simm.s32 $_size_execute0_lowered;
	s9 =	sadd.s32 s9, s10;
	[dreg:$0x0] =	wrdreg $0x0  }
0xb2: {  	s10 =	sshll.u32 s28, $0x1;
	[dreg:$0x2] =	wrdreg s9  }
0xb3: {  	[dreg:$0x3] =	wrdreg s10  }
0xb4: {  	[dreg:$0x4] =	wrdreg $0xC0  }
0xb5: {  	_ =	task [dreg:s13], $0x5FFFF  }
0xb6: {  	[dreg:$0x1] =	wrdreg $0xFFFFFFFF  }
0xb7: {  	[dreg:$0x0] =	wrdreg $0x60  }
0xb8: {  	[dreg:$0x2] =	wrdreg s2  }
0xb9: {  	[dreg:$0x3] =	wrdreg s16  }
0xba: {  	[dreg:$0x4] =	wrdreg s5  }
0xbb: {  	[dreg:$0x5] =	wrdreg s6  }
0xbc: {  	[dreg:$0x6] =	wrdreg s7  }
0xbd: {  	[dreg:$0x7] =	wrdreg s17  }
0xbe: {  	[dreg:$0x8] =	wrdreg s18  }
0xbf: {  	[dreg:$0x9] =	wrdreg $0x9  }
0xc0: {  	_ =	task.clear_ibuf [dreg:s13], $0xAFFFF;
	_ =	strace $0x90000046  }
0xc1: {  	s29 =	simm.s32 $0x9;
	_ =	strace $0x80000048  }
0xc2: {  	_ =	swait.ge [sflag:s29], $0x1  }
0xc3: {  	[sflag:s29] =	ssyncadd.s32 $0xFFFFFFFF  }
0xc4: {  	_ =	strace $0x90000048  }
0xc5: {  	_ =	sfence  }
0xc6: {  	s30 =	sld [smem:$0x0];
	_ =	sdelay $0x2  }
0xc7: {  	s31 =	sshll.u32 s1, $0xD;
	s1 =	sshrl.u32 s1, $0x2  }
0xc8: {  	s3 =	sand.u32 $0x4000, s31;
	s1 =	sadd.s32 s1, s30  }
0xc9: {  	s0 =	sor.u32 s3, s0;
	s1 =	sshll.u32 s1, $0x11  }
0xca: {  	s0 =	sor.u32 s1, s0  }
0xcb: {  	s0 =	sadd.s32 $0x8F2B, s0  }
0xcc: {  	[sflag:s0] =	ssyncadd.remote.s32 $0x1  }
0xcd: {  	_ =	sfence.sel $0xFFFF  }
0xce: {  	[dreg:$0x0] =	wrdreg $0xFFFFFFFF;
	(pc) =	sbr.abs _section_cstart, $3  }
0xcf: {  	[dreg:$0x1] =	wrdreg $0xFFFFFFFF  }
0xd0: {  	_ =	task.clear_ibuf [dreg:s13], $0x2FFFF;
	_ =	strace $0x9FFFFFFF  }
0xd1: {  	(tm) =	ssettm $0x7FFFFFFF  }
tec
execute0_lowered:
.L_overlay_start_1:
0x0: {  	(tag) =	ssettag $0x1  }
0x1: {  	s0 =	rddreg [dreg:$0x0]  }
0x2: {  	s3 =	rddreg [dreg:$0x1]  }
0x3: {  	s5 =	rddreg [dreg:$0x2]  }
0x4: {  	s1 =	rddreg [dreg:$0x3]  }
0x5: {  	s2 =	rddreg [dreg:$0x4]  }
0x6: {  	s6 =	rddreg [dreg:$0x5]  }
0x7: {  	s7 =	rddreg [dreg:$0x6];
	s8 =	srdreg.scid  }
0x8: {  	s4 =	simm.s32 $0x0;
	s10 =	stileid.u32;
	s13 =	simm.s32 $0x5  }
0x9: {  	s14 =	simm.s32 $0x40;
	s15 =	simm.s32 $0x600;
	s16 =	simm.s32 $0x8600  }
0xa: {  	s17 =	simm.s32 $0x10600;
	s18 =	simm.s32 $0x2600;
	s20 =	simm.s32 $0xA600  }
0xb: {  	s22 =	simm.s32 $0x12600;
	s24 =	simm.s32 $0x4600;
	s29 =	simm.s32 $0x14600  }
0xc: {  	s30 =	simm.s32 $0x6600;
	s31 =	simm.s32 $0xE600;
	s19 =	simm.s32 $0x2  }
0xd: {  	s21 =	simm.s32 $0x3;
	s23 =	simm.s32 $0x4;
	s8 =	sand.u32 $0x1, s8  }
0xe: {  	s10 =	sshll.u32 s10, $0x7;
	s9 =	ssub.s32 $0x2, s8;
	s8 =	sshll.u32 s8, $0x6  }
0xf: {  	s25 =	simm.s32 $0x0;
	[smem:$0x7FF] =	sst s4;
	s10 =	sor.u32 s8, s10  }
0x10: {  	_ =	strace $0x80000047;
	s11 =	sshrl.u32 s9, $0x1;
	s0 =	sadd.s32 s0, s10  }
0x11: {  	s11 =	ssub.s32 s9, s11;
	s26 =	sadd.s32 s3, s10;
	[dreg:$0x8] =	wrdreg s0  }
0x12: {  	s28 =	sadd.s32 s5, s10;
	s8 =	sadd.s32 s6, s10;
	[dreg:$0x9] =	wrdreg s26  }
0x13: {  	s9 =	sadd.s32 s7, s10;
	s3 =	simm.s32 $0x1;
	[dreg:$0xa] =	wrdreg s28  }
0x14: {  	s10 =	smax.u32 s11, $0x1;
	s26 =	simm.s32 $0xC600;
	s0 =	simm.s32 $0x16600  }
.LBB2_1:
0x15: {  	s5 =	rddreg [dreg:$0x8]  }
0x16: {  	[tilespmem:s4], [sflag:$0x5] =	stream.linear.gather [hbm4b:s5+s4], $0x200, $0x38;
	[tilespmem:$0x18A00] =	vst v63  }
0x17: {  	s12 =	rddreg [dreg:$0x9];
	s6 =	simm.s32 $0x200  }
0x18: {  	[tilespmem:s6], [sflag:$0x5] =	stream.linear.gather [hbm4b:s12+s4], $0x200, $0x38;
	[tilespmem:$0x18A00] =	vst v63  }
0x19: {  	s28 =	rddreg [dreg:$0xa];
	s7 =	simm.s32 $0x400  }
0x1a: {  	[tilespmem:s7], [sflag:$0x5] =	stream.linear.gather [hbm4b:s28+s4], $0x200, $0x38;
	[tilespmem:$0x18A00] =	vst v63  }
0x1b: {  	_ =	swait.ge [sflag:s13], $0x200  }
0x1c: {  	[sflag:s13] =	ssyncset.done $0x0  }
0x1d: {  	[sflag:s13] =	ssyncadd.s32 $0xFFFFFE00  }
0x1e: {  	_ =	swait.ge [sflag:s13], $0x200  }
0x1f: {  	[sflag:s13] =	ssyncset.done $0x0  }
0x20: {  	[sflag:s13] =	ssyncadd.s32 $0xFFFFFE00  }
0x21: {  	_ =	swait.ge [sflag:s13], $0x200  }
0x22: {  	[sflag:s13] =	ssyncset.done $0x0  }
0x23: {  	[sflag:s13] =	ssyncadd.s32 $0xFFFFFE00  }
0x24: {  	[tilespmem:s15], [sflag:$0x1] =	stream.indirect.gather [hbm4b:s1+s14], $0x80, s4, s14, $0xb8;
	[tilespmem:$0x18A00] =	vst v63  }
0x25: {  	_ = 	snop  }
0x26: {  	[tilespmem:s16], [sflag:$0x1] =	stream.indirect.gather [hbm4b:s2+s14], $0x80, s6, s14, $0xb8;
	[tilespmem:$0x18A00] =	vst v63  }
0x27: {  	_ = 	snop  }
0x28: {  	[tilespmem:s17], [sflag:$0x1] =	stream.indirect.gather [hbm4b:s2+s14], $0x80, s7, s14, $0xb8;
	[tilespmem:$0x18A00] =	vst v63  }
0x29: {  	_ = 	snop  }
0x2a: {  	[tilespmem:s18], [sflag:$0x2] =	stream.indirect.gather [hbm4b:s1+s14], $0x80, s14, s14, $0xb8;
	[tilespmem:$0x18A00] =	vst v63  }
0x2b: {  	s6 =	simm.s32 $0x240  }
0x2c: {  	[tilespmem:s20], [sflag:$0x2] =	stream.indirect.gather [hbm4b:s2+s14], $0x80, s6, s14, $0xb8;
	[tilespmem:$0x18A00] =	vst v63  }
0x2d: {  	s7 =	simm.s32 $0x440  }
0x2e: {  	[tilespmem:s22], [sflag:$0x2] =	stream.indirect.gather [hbm4b:s2+s14], $0x80, s7, s14, $0xb8;
	[tilespmem:$0x18A00] =	vst v63  }
0x2f: {  	s11 =	simm.s32 $0x80  }
0x30: {  	[tilespmem:s24], [sflag:$0x3] =	stream.indirect.gather [hbm4b:s1+s14], $0x80, s11, s14, $0xb8;
	[tilespmem:$0x18A00] =	vst v63  }
0x31: {  	s12 =	simm.s32 $0x280  }
0x32: {  	[tilespmem:s26], [sflag:$0x3] =	stream.indirect.gather [hbm4b:s2+s14], $0x80, s12, s14, $0xb8;
	[tilespmem:$0x18A00] =	vst v63  }
0x33: {  	p1 =	por $0x1, $0x1;
	s28 =	simm.s32 $0x480;
	s11 =	simm.s32 $0x0  }
0x34: {  	[tilespmem:s29], [sflag:$0x3] =	stream.indirect.gather [hbm4b:s2+s14], $0x80, s28, s14, $0xb8;
	[tilespmem:$0x18A00] =	vst v63  }
.LBB2_2:
0x35: {  	s28 =	sor.u32 $0xC0, s11  }
0x36: {  	[tilespmem:s30], [sflag:$0x4] =	stream.indirect.gather [hbm4b:s1+s14], $0x80, s28, s14, $0xb8;
	[tilespmem:$0x18A00] =	vst v63  }
0x37: {  	s5 =	sadd.s32 $0x2C0, s11  }
0x38: {  	[tilespmem:s31], [sflag:$0x4] =	stream.indirect.gather [hbm4b:s2+s14], $0x80, s5, s14, $0xb8;
	[tilespmem:$0x18A00] =	vst v63  }
0x39: {  	s12 =	sadd.s32 $0x4C0, s11  }
0x3a: {  	[tilespmem:s0], [sflag:$0x4] =	stream.indirect.gather [hbm4b:s2+s14], $0x80, s12, s14, $0xb8;
	[tilespmem:$0x18A00] =	vst v63  }
0x3b: {  	_ =	swait.ge [sflag:s3], $0x2000  }
0x3c: {  	[sflag:s3] =	ssyncset.done $0x0  }
0x3d: {  	[sflag:s3] =	ssyncadd.s32 $0xFFFFE000  }
0x3e: {  	_ =	swait.ge [sflag:s3], $0x2000  }
0x3f: {  	[sflag:s3] =	ssyncset.done $0x0  }
0x40: {  	[sflag:s3] =	ssyncadd.s32 $0xFFFFE000  }
0x41: {  	_ =	swait.ge [sflag:s3], $0x2000  }
0x42: {  	[sflag:s3] =	ssyncset.done $0x0  }
0x43: {  	p0 =	por p1, p1;
	s12 =	simm.s32 $0x0;
	[sflag:s3] =	ssyncadd.s32 $0xFFFFE000  }
.LBB2_3:
0x44: {  	s5 =	sshll.u32 s12, $0x4;
	v1 =	vlaneseq.u32  }
0x45: {  	v0 =	vmov s5;
	v2 =	vmul.u32 $0x80, v1  }
0x46: {  	v0 =	vshll.u32 v0, $0x7  }
0x47: {  	v0 =	vor.u32 v2, v0  }
0x48: {  	v3 =	vadd.s32 $0x1, v1;
	v2 =	vor.u32 v0, v1  }
0x49: {  	v3 =	vand.u32 $0x7F, v3  }
0x4a: {  	v3 =	vor.u32 v0, v3;
	_ =	sdelay $0x1  }
0x4b: {  	v4 =	vadd.s32 $0x2, v1  }
0x4c: {  	v4 =	vand.u32 $0x7F, v4;
	v5 =	vld.idx.msk [tilespmem:v2+s15+$0x0], $0xffff  }
0x4d: {  	v4 =	vor.u32 v0, v4;
	v6 =	vld.idx.msk [tilespmem:v2+s16+$0x0], $0xffff  }
0x4e: {  	v8 =	vadd.s32 $0x3, v1;
	v7 =	vld.idx.msk [tilespmem:v3+s15+$0x0], $0xffff  }
0x4f: {  	v8 =	vand.u32 $0x7F, v8;
	v9 =	vld.idx.msk [tilespmem:v3+s16+$0x0], $0xffff  }
0x50: {  	v8 =	vor.u32 v0, v8;
	v3 =	vld.idx.msk [tilespmem:v3+s17+$0x0], $0xffff  }
0x51: {  	v1 =	vadd.s32 $0x4, v1;
	v2 =	vld.idx.msk [tilespmem:v2+s17+$0x0], $0xffff  }
0x52: {  	v14 =	vand.u32 $0x7F, v1;
	v10 =	vld.idx.msk [tilespmem:v4+s15+$0x0], $0xffff  }
0x53: {  	v13 =	vor.u32 v0, v14;
	v1 =	vadd.s32 $0x1, v14;
	v11 =	vld.idx.msk [tilespmem:v4+s16+$0x0], $0xffff  }
0x54: {  	v1 =	vand.u32 $0x7F, v1;
	v4 =	vld.idx.msk [tilespmem:v4+s17+$0x0], $0xffff  }
0x55: {  	v12 =	vor.u32 v0, v1;
	v15 =	vld.idx.msk [tilespmem:v8+s15+$0x0], $0xffff  }
0x56: {  	v16 =	vld.idx.msk [tilespmem:v8+s16+$0x0], $0xffff  }
0x57: {  	v17 =	vimm.f32 $0.0e+00;
	v18 =	vadd.s32 $0x2, v14;
	v19 =	vld.idx.msk [tilespmem:v8+s17+$0x0], $0xffff;
	v9 =	vmul.f32 v9, v7  }
0x58: {  	v1 =	vld.idx.msk [tilespmem:v13+s15+$0x0], $0xffff;
	v20 =	vmul.f32 v6, v5;
	v3 =	vmul.f32 v3, v7;
	v6 =	vand.u32 $0x7F, v18  }
0x59: {  	v7 =	vmul.f32 v2, v5;
	v2 =	vld.idx.msk [tilespmem:v13+s16+$0x0], $0xffff;
	v4 =	vmul.f32 v4, v10;
	v8 =	vor.u32 v0, v6  }
0x5a: {  	v5 =	vld.idx.msk [tilespmem:v12+s15+$0x0], $0xffff;
	v63 =	vadd.f32 v9, v17;
	v9 =	vmul.f32 v11, v10;
	v11 =	vadd.s32 $0x3, v14  }
0x5b: {  	v13 =	vld.idx.msk [tilespmem:v13+s17+$0x0], $0xffff;
	v6 =	vadd.f32 v3, v17;
	v3 =	vadd.f32 v20, v17;
	v11 =	vand.u32 $0x7F, v11  }
0x5c: {  	v16 =	vmul.f32 v16, v15;
	v7 =	vadd.f32 v7, v17;
	v10 =	vld.idx.msk [tilespmem:v12+s16+$0x0], $0xffff;
	v11 =	vor.u32 v0, v11  }
0x5d: {  	v15 =	vmul.f32 v19, v15;
	v12 =	vld.idx.msk [tilespmem:v12+s17+$0x0], $0xffff;
	v3 =	vadd.f32 v9, v3;
	v9 =	vadd.s32 $0x4, v14  }
0x5e: {  	s6 =	simm.s32 $0x2;
	v4 =	vadd.f32 v4, v7;
	v14 =	vadd.f32 v16, v63;
	v9 =	vand.u32 $0x7F, v9;
	v7 =	vld.idx.msk [tilespmem:v8+s15+$0x0], $0xffff  }
.LBB2_4:
0x5f: {  	v16 =	vor.u32 v0, v9;
	v17 =	vadd.s32 $0x1, v9;
	s6 =	sadd.s32 $0x2, s6;
	v18 =	vld.idx.msk [tilespmem:v8+s16+$0x0], $0xffff;
	v6 =	vadd.f32 v15, v6  }
0x60: {  	v15 =	vand.u32 $0x7F, v17;
	p1 =	slt.u32 s6, $0x3E;
	v17 =	vld.idx.msk [tilespmem:v8+s17+$0x0], $0xffff  }
0x61: {  	v8 =	vmul.f32 v10, v5;
	v15 =	vor.u32 v0, v15;
	v19 =	vld.idx.msk [tilespmem:v11+s15+$0x0], $0xffff  }
0x62: {  	v10 =	vmul.f32 v2, v1;
	v2 =	vmul.f32 v12, v5;
	v20 =	vld.idx.msk [tilespmem:v11+s16+$0x0], $0xffff  }
0x63: {  	v5 =	vadd.s32 $0x2, v9;
	v14 =	vadd.f32 v8, v14;
	v12 =	vmul.f32 v13, v1;
	v21 =	vld.idx.msk [tilespmem:v11+s17+$0x0], $0xffff  }
0x64: {  	v5 =	vand.u32 $0x7F, v5;
	v6 =	vadd.f32 v2, v6;
	v1 =	vld.idx.msk [tilespmem:v16+s15+$0x0], $0xffff  }
0x65: {  	v3 =	vadd.f32 v10, v3;
	v8 =	vor.u32 v0, v5;
	v11 =	vmul.f32 v18, v7;
	v2 =	vld.idx.msk [tilespmem:v16+s16+$0x0], $0xffff  }
.Ltmp0:
0x66: {  	v13 =	vadd.s32 $0x3, v9;
	v4 =	vadd.f32 v12, v4;
	v7 =	vmul.f32 v17, v7;
	v5 =	vld.idx.msk [tilespmem:v15+s15+$0x0], $0xffff;
	(pc) =	sbr.rel @p1 .LBB2_4-.Ltmp0, $4  }
0x67: {  	v13 =	vand.u32 $0x7F, v13;
	v3 =	vadd.f32 v11, v3;
	v10 =	vld.idx.msk [tilespmem:v15+s16+$0x0], $0xffff  }
0x68: {  	v11 =	vor.u32 v0, v13;
	v17 =	vmul.f32 v20, v19;
	v4 =	vadd.f32 v7, v4;
	v12 =	vld.idx.msk [tilespmem:v15+s17+$0x0], $0xffff  }
0x69: {  	v9 =	vadd.s32 $0x4, v9;
	v15 =	vmul.f32 v21, v19;
	v13 =	vld.idx.msk [tilespmem:v16+s17+$0x0], $0xffff  }
0x6a: {  	v9 =	vand.u32 $0x7F, v9;
	v14 =	vadd.f32 v17, v14;
	v7 =	vld.idx.msk [tilespmem:v8+s15+$0x0], $0xffff  }
0x6b: {  	_ =	sdelay $0x3  }
0x6c: {  	v0 =	vld.idx.msk [tilespmem:v8+s16+$0x0], $0xffff  }
0x6d: {  	v55 =	vld.idx.msk [tilespmem:v8+s17+$0x0], $0xffff  }
0x6e: {  	v9 =	vld.idx.msk [tilespmem:v11+s15+$0x0], $0xffff  }
0x6f: {  	v16 =	vld.idx.msk [tilespmem:v11+s16+$0x0], $0xffff  }
0x70: {  	v56 =	vld.idx.msk [tilespmem:v11+s17+$0x0], $0xffff  }
0x71: {  	v2 =	vmul.f32 v2, v1;
	v10 =	vmul.f32 v10, v5  }
0x72: {  	v6 =	vadd.f32 v15, v6;
	v57 =	vmul.f32 v12, v5  }
0x73: {  	v2 =	vadd.f32 v2, v3;
	v10 =	vadd.f32 v10, v14;
	v58 =	vmul.f32 v13, v1  }
0x74: {  	v5 =	vadd.f32 v57, v6;
	v0 =	vmul.f32 v0, v7;
	v59 =	vmul.f32 v16, v9  }
0x75: {  	s12 =	sadd.s32 $0x1, s12;
	v1 =	vadd.f32 v58, v4;
	v60 =	vmul.f32 v55, v7;
	v61 =	vmul.f32 v56, v9  }
0x76: {  	p1 =	sne.s32 s12, $0x4;
	v0 =	vadd.f32 v0, v2;
	v62 =	vadd.f32 v59, v10  }
.Ltmp1:
0x77: {  	v1 =	vadd.f32 v60, v1;
	v63 =	vadd.f32 v61, v5;
	(pc) =	sbr.rel @p1 .LBB2_3-.Ltmp1, $4  }
0x78: {  	v0 =	vadd.f32 v62, v0  }
0x79: {  	s5 =	sor.u32 s11, s5;
	v1 =	vadd.f32 v63, v1  }
0x7a: {  	[tilespmem:s5+$0x18600] =	vst v0  }
0x7b: {  	[tilespmem:s5+$0x18800] =	vst v1  }
0x7c: {  	s5 =	simm.s32 @p0 $0x40;
	s6 =	simm.s32 @p0 $0x100;
	s7 =	simm.s32 @p0 $0x600  }
0x7d: {  	[tilespmem:s7], [sflag:$0x1] =	stream.indirect.gather @p0 [hbm4b:s1+s5], $0x80, s6, s5, $0xb8;
	[tilespmem:$0x18A00] =	vst v63  }
0x7e: {  	s6 =	simm.s32 @p0 $0x300;
	s7 =	simm.s32 @p0 $0x8600  }
0x7f: {  	[tilespmem:s7], [sflag:$0x1] =	stream.indirect.gather @p0 [hbm4b:s2+s5], $0x80, s6, s5, $0xb8;
	[tilespmem:$0x18A00] =	vst v63  }
0x80: {  	s6 =	simm.s32 @p0 $0x500;
	s7 =	simm.s32 @p0 $0x10600  }
0x81: {  	[tilespmem:s7], [sflag:$0x1] =	stream.indirect.gather @p0 [hbm4b:s2+s5], $0x80, s6, s5, $0xb8;
	[tilespmem:$0x18A00] =	vst v63  }
0x82: {  	_ =	swait.ge [sflag:s19], $0x2000  }
0x83: {  	[sflag:s19] =	ssyncset.done $0x0  }
0x84: {  	[sflag:s19] =	ssyncadd.s32 $0xFFFFE000  }
0x85: {  	_ =	swait.ge [sflag:s19], $0x2000  }
0x86: {  	[sflag:s19] =	ssyncset.done $0x0  }
0x87: {  	[sflag:s19] =	ssyncadd.s32 $0xFFFFE000  }
0x88: {  	_ =	swait.ge [sflag:s19], $0x2000  }
0x89: {  	[sflag:s19] =	ssyncset.done $0x0  }
0x8a: {  	s12 =	sor.u32 $0x40, s11;
	s5 =	simm.s32 $0x0;
	[sflag:s19] =	ssyncadd.s32 $0xFFFFE000  }
.LBB2_7:
0x8b: {  	s6 =	sshll.u32 s5, $0x4;
	v1 =	vlaneseq.u32  }
0x8c: {  	v0 =	vmov s6;
	v2 =	vmul.u32 $0x80, v1  }
0x8d: {  	v0 =	vshll.u32 v0, $0x7  }
0x8e: {  	v0 =	vor.u32 v2, v0  }
0x8f: {  	v3 =	vadd.s32 $0x1, v1;
	v2 =	vor.u32 v0, v1  }
0x90: {  	v3 =	vand.u32 $0x7F, v3  }
0x91: {  	v3 =	vor.u32 v0, v3;
	_ =	sdelay $0x1  }
0x92: {  	v4 =	vadd.s32 $0x2, v1  }
0x93: {  	v4 =	vand.u32 $0x7F, v4;
	v5 =	vld.idx.msk [tilespmem:v2+s18+$0x0], $0xffff  }
0x94: {  	v4 =	vor.u32 v0, v4;
	v6 =	vld.idx.msk [tilespmem:v2+s20+$0x0], $0xffff  }
0x95: {  	v8 =	vadd.s32 $0x3, v1;
	v7 =	vld.idx.msk [tilespmem:v3+s18+$0x0], $0xffff  }
0x96: {  	v8 =	vand.u32 $0x7F, v8;
	v9 =	vld.idx.msk [tilespmem:v3+s20+$0x0], $0xffff  }
0x97: {  	v8 =	vor.u32 v0, v8;
	v3 =	vld.idx.msk [tilespmem:v3+s22+$0x0], $0xffff  }
0x98: {  	v1 =	vadd.s32 $0x4, v1;
	v2 =	vld.idx.msk [tilespmem:v2+s22+$0x0], $0xffff  }
0x99: {  	v14 =	vand.u32 $0x7F, v1;
	v10 =	vld.idx.msk [tilespmem:v4+s18+$0x0], $0xffff  }
0x9a: {  	v13 =	vor.u32 v0, v14;
	v1 =	vadd.s32 $0x1, v14;
	v11 =	vld.idx.msk [tilespmem:v4+s20+$0x0], $0xffff  }
0x9b: {  	v1 =	vand.u32 $0x7F, v1;
	v4 =	vld.idx.msk [tilespmem:v4+s22+$0x0], $0xffff  }
0x9c: {  	v12 =	vor.u32 v0, v1;
	v15 =	vld.idx.msk [tilespmem:v8+s18+$0x0], $0xffff  }
0x9d: {  	v16 =	vld.idx.msk [tilespmem:v8+s20+$0x0], $0xffff  }
0x9e: {  	v17 =	vimm.f32 $0.0e+00;
	v18 =	vadd.s32 $0x2, v14;
	v19 =	vld.idx.msk [tilespmem:v8+s22+$0x0], $0xffff;
	v9 =	vmul.f32 v9, v7  }
0x9f: {  	v1 =	vld.idx.msk [tilespmem:v13+s18+$0x0], $0xffff;
	v20 =	vmul.f32 v6, v5;
	v3 =	vmul.f32 v3, v7;
	v6 =	vand.u32 $0x7F, v18  }
0xa0: {  	v7 =	vmul.f32 v2, v5;
	v2 =	vld.idx.msk [tilespmem:v13+s20+$0x0], $0xffff;
	v4 =	vmul.f32 v4, v10;
	v8 =	vor.u32 v0, v6  }
0xa1: {  	v5 =	vld.idx.msk [tilespmem:v12+s18+$0x0], $0xffff;
	v63 =	vadd.f32 v9, v17;
	v9 =	vmul.f32 v11, v10;
	v11 =	vadd.s32 $0x3, v14  }
0xa2: {  	v13 =	vld.idx.msk [tilespmem:v13+s22+$0x0], $0xffff;
	v6 =	vadd.f32 v3, v17;
	v3 =	vadd.f32 v20, v17;
	v11 =	vand.u32 $0x7F, v11  }
0xa3: {  	v16 =	vmul.f32 v16, v15;
	v7 =	vadd.f32 v7, v17;
	v10 =	vld.idx.msk [tilespmem:v12+s20+$0x0], $0xffff;
	v11 =	vor.u32 v0, v11  }
0xa4: {  	v15 =	vmul.f32 v19, v15;
	v12 =	vld.idx.msk [tilespmem:v12+s22+$0x0], $0xffff;
	v3 =	vadd.f32 v9, v3;
	v9 =	vadd.s32 $0x4, v14  }
0xa5: {  	s7 =	simm.s32 $0x2;
	v4 =	vadd.f32 v4, v7;
	v14 =	vadd.f32 v16, v63;
	v9 =	vand.u32 $0x7F, v9;
	v7 =	vld.idx.msk [tilespmem:v8+s18+$0x0], $0xffff  }
.LBB2_8:
0xa6: {  	v16 =	vor.u32 v0, v9;
	v17 =	vadd.s32 $0x1, v9;
	s7 =	sadd.s32 $0x2, s7;
	v18 =	vld.idx.msk [tilespmem:v8+s20+$0x0], $0xffff;
	v6 =	vadd.f32 v15, v6  }
0xa7: {  	v15 =	vand.u32 $0x7F, v17;
	p1 =	slt.u32 s7, $0x3E;
	v17 =	vld.idx.msk [tilespmem:v8+s22+$0x0], $0xffff  }
0xa8: {  	v8 =	vmul.f32 v10, v5;
	v15 =	vor.u32 v0, v15;
	v19 =	vld.idx.msk [tilespmem:v11+s18+$0x0], $0xffff  }
0xa9: {  	v10 =	vmul.f32 v2, v1;
	v2 =	vmul.f32 v12, v5;
	v20 =	vld.idx.msk [tilespmem:v11+s20+$0x0], $0xffff  }
0xaa: {  	v5 =	vadd.s32 $0x2, v9;
	v14 =	vadd.f32 v8, v14;
	v12 =	vmul.f32 v13, v1;
	v21 =	vld.idx.msk [tilespmem:v11+s22+$0x0], $0xffff  }
0xab: {  	v5 =	vand.u32 $0x7F, v5;
	v6 =	vadd.f32 v2, v6;
	v1 =	vld.idx.msk [tilespmem:v16+s18+$0x0], $0xffff  }
0xac: {  	v3 =	vadd.f32 v10, v3;
	v8 =	vor.u32 v0, v5;
	v11 =	vmul.f32 v18, v7;
	v2 =	vld.idx.msk [tilespmem:v16+s20+$0x0], $0xffff  }
.Ltmp2:
0xad: {  	v13 =	vadd.s32 $0x3, v9;
	v4 =	vadd.f32 v12, v4;
	v7 =	vmul.f32 v17, v7;
	v5 =	vld.idx.msk [tilespmem:v15+s18+$0x0], $0xffff;
	(pc) =	sbr.rel @p1 .LBB2_8-.Ltmp2, $4  }
0xae: {  	v13 =	vand.u32 $0x7F, v13;
	v3 =	vadd.f32 v11, v3;
	v10 =	vld.idx.msk [tilespmem:v15+s20+$0x0], $0xffff  }
0xaf: {  	v11 =	vor.u32 v0, v13;
	v17 =	vmul.f32 v20, v19;
	v4 =	vadd.f32 v7, v4;
	v12 =	vld.idx.msk [tilespmem:v15+s22+$0x0], $0xffff  }
0xb0: {  	v9 =	vadd.s32 $0x4, v9;
	v15 =	vmul.f32 v21, v19;
	v13 =	vld.idx.msk [tilespmem:v16+s22+$0x0], $0xffff  }
0xb1: {  	v9 =	vand.u32 $0x7F, v9;
	v14 =	vadd.f32 v17, v14;
	v7 =	vld.idx.msk [tilespmem:v8+s18+$0x0], $0xffff  }
0xb2: {  	_ =	sdelay $0x3  }
0xb3: {  	v0 =	vld.idx.msk [tilespmem:v8+s20+$0x0], $0xffff  }
0xb4: {  	v55 =	vld.idx.msk [tilespmem:v8+s22+$0x0], $0xffff  }
0xb5: {  	v9 =	vld.idx.msk [tilespmem:v11+s18+$0x0], $0xffff  }
0xb6: {  	v16 =	vld.idx.msk [tilespmem:v11+s20+$0x0], $0xffff  }
0xb7: {  	v56 =	vld.idx.msk [tilespmem:v11+s22+$0x0], $0xffff  }
0xb8: {  	v2 =	vmul.f32 v2, v1;
	v10 =	vmul.f32 v10, v5  }
0xb9: {  	v6 =	vadd.f32 v15, v6;
	v57 =	vmul.f32 v12, v5  }
0xba: {  	v2 =	vadd.f32 v2, v3;
	v10 =	vadd.f32 v10, v14;
	v58 =	vmul.f32 v13, v1  }
0xbb: {  	v5 =	vadd.f32 v57, v6;
	v0 =	vmul.f32 v0, v7;
	v59 =	vmul.f32 v16, v9  }
0xbc: {  	s5 =	sadd.s32 $0x1, s5;
	v1 =	vadd.f32 v58, v4;
	v60 =	vmul.f32 v55, v7;
	v61 =	vmul.f32 v56, v9  }
0xbd: {  	p1 =	sne.s32 s5, $0x4;
	v0 =	vadd.f32 v0, v2;
	v62 =	vadd.f32 v59, v10  }
.Ltmp3:
0xbe: {  	v1 =	vadd.f32 v60, v1;
	v63 =	vadd.f32 v61, v5;
	(pc) =	sbr.rel @p1 .LBB2_7-.Ltmp3, $4  }
0xbf: {  	v0 =	vadd.f32 v62, v0  }
0xc0: {  	s6 =	sor.u32 s12, s6;
	v1 =	vadd.f32 v63, v1  }
0xc1: {  	[tilespmem:s6+$0x18600] =	vst v0  }
0xc2: {  	[tilespmem:s6+$0x18800] =	vst v1  }
0xc3: {  	s5 =	simm.s32 @p0 $0x40;
	s6 =	simm.s32 @p0 $0x140;
	s7 =	simm.s32 @p0 $0x2600  }
0xc4: {  	[tilespmem:s7], [sflag:$0x2] =	stream.indirect.gather @p0 [hbm4b:s1+s5], $0x80, s6, s5, $0xb8;
	[tilespmem:$0x18A00] =	vst v63  }
0xc5: {  	s6 =	simm.s32 @p0 $0x340;
	s7 =	simm.s32 @p0 $0xA600  }
0xc6: {  	[tilespmem:s7], [sflag:$0x2] =	stream.indirect.gather @p0 [hbm4b:s2+s5], $0x80, s6, s5, $0xb8;
	[tilespmem:$0x18A00] =	vst v63  }
0xc7: {  	s6 =	simm.s32 @p0 $0x540;
	s7 =	simm.s32 @p0 $0x12600  }
0xc8: {  	[tilespmem:s7], [sflag:$0x2] =	stream.indirect.gather @p0 [hbm4b:s2+s5], $0x80, s6, s5, $0xb8;
	[tilespmem:$0x18A00] =	vst v63  }
0xc9: {  	_ =	swait.ge [sflag:s21], $0x2000  }
0xca: {  	[sflag:s21] =	ssyncset.done $0x0  }
0xcb: {  	[sflag:s21] =	ssyncadd.s32 $0xFFFFE000  }
0xcc: {  	_ =	swait.ge [sflag:s21], $0x2000  }
0xcd: {  	[sflag:s21] =	ssyncset.done $0x0  }
0xce: {  	[sflag:s21] =	ssyncadd.s32 $0xFFFFE000  }
0xcf: {  	_ =	swait.ge [sflag:s21], $0x2000  }
0xd0: {  	[sflag:s21] =	ssyncset.done $0x0  }
0xd1: {  	s11 =	sor.u32 $0x80, s11;
	s5 =	simm.s32 $0x0;
	[sflag:s21] =	ssyncadd.s32 $0xFFFFE000  }
.LBB2_11:
0xd2: {  	s6 =	sshll.u32 s5, $0x4;
	v1 =	vlaneseq.u32  }
0xd3: {  	v0 =	vmov s6;
	v2 =	vmul.u32 $0x80, v1  }
0xd4: {  	v0 =	vshll.u32 v0, $0x7  }
0xd5: {  	v0 =	vor.u32 v2, v0  }
0xd6: {  	v3 =	vadd.s32 $0x1, v1;
	v2 =	vor.u32 v0, v1  }
0xd7: {  	v3 =	vand.u32 $0x7F, v3  }
0xd8: {  	v3 =	vor.u32 v0, v3;
	_ =	sdelay $0x1  }
0xd9: {  	v4 =	vadd.s32 $0x2, v1  }
0xda: {  	v4 =	vand.u32 $0x7F, v4;
	v5 =	vld.idx.msk [tilespmem:v2+s24+$0x0], $0xffff  }
0xdb: {  	v4 =	vor.u32 v0, v4;
	v6 =	vld.idx.msk [tilespmem:v2+s26+$0x0], $0xffff  }
0xdc: {  	v8 =	vadd.s32 $0x3, v1;
	v7 =	vld.idx.msk [tilespmem:v3+s24+$0x0], $0xffff  }
0xdd: {  	v8 =	vand.u32 $0x7F, v8;
	v9 =	vld.idx.msk [tilespmem:v3+s26+$0x0], $0xffff  }
0xde: {  	v8 =	vor.u32 v0, v8;
	v3 =	vld.idx.msk [tilespmem:v3+s29+$0x0], $0xffff  }
0xdf: {  	v1 =	vadd.s32 $0x4, v1;
	v2 =	vld.idx.msk [tilespmem:v2+s29+$0x0], $0xffff  }
0xe0: {  	v14 =	vand.u32 $0x7F, v1;
	v10 =	vld.idx.msk [tilespmem:v4+s24+$0x0], $0xffff  }
0xe1: {  	v13 =	vor.u32 v0, v14;
	v1 =	vadd.s32 $0x1, v14;
	v11 =	vld.idx.msk [tilespmem:v4+s26+$0x0], $0xffff  }
0xe2: {  	v1 =	vand.u32 $0x7F, v1;
	v4 =	vld.idx.msk [tilespmem:v4+s29+$0x0], $0xffff  }
0xe3: {  	v12 =	vor.u32 v0, v1;
	v15 =	vld.idx.msk [tilespmem:v8+s24+$0x0], $0xffff  }
0xe4: {  	v16 =	vld.idx.msk [tilespmem:v8+s26+$0x0], $0xffff  }
0xe5: {  	v17 =	vimm.f32 $0.0e+00;
	v18 =	vadd.s32 $0x2, v14;
	v19 =	vld.idx.msk [tilespmem:v8+s29+$0x0], $0xffff;
	v9 =	vmul.f32 v9, v7  }
0xe6: {  	v1 =	vld.idx.msk [tilespmem:v13+s24+$0x0], $0xffff;
	v20 =	vmul.f32 v6, v5;
	v3 =	vmul.f32 v3, v7;
	v6 =	vand.u32 $0x7F, v18  }
0xe7: {  	v7 =	vmul.f32 v2, v5;
	v2 =	vld.idx.msk [tilespmem:v13+s26+$0x0], $0xffff;
	v4 =	vmul.f32 v4, v10;
	v8 =	vor.u32 v0, v6  }
0xe8: {  	v5 =	vld.idx.msk [tilespmem:v12+s24+$0x0], $0xffff;
	v63 =	vadd.f32 v9, v17;
	v9 =	vmul.f32 v11, v10;
	v11 =	vadd.s32 $0x3, v14  }
0xe9: {  	v13 =	vld.idx.msk [tilespmem:v13+s29+$0x0], $0xffff;
	v6 =	vadd.f32 v3, v17;
	v3 =	vadd.f32 v20, v17;
	v11 =	vand.u32 $0x7F, v11  }
0xea: {  	v16 =	vmul.f32 v16, v15;
	v7 =	vadd.f32 v7, v17;
	v10 =	vld.idx.msk [tilespmem:v12+s26+$0x0], $0xffff;
	v11 =	vor.u32 v0, v11  }
0xeb: {  	v15 =	vmul.f32 v19, v15;
	v12 =	vld.idx.msk [tilespmem:v12+s29+$0x0], $0xffff;
	v3 =	vadd.f32 v9, v3;
	v9 =	vadd.s32 $0x4, v14  }
0xec: {  	s7 =	simm.s32 $0x2;
	v4 =	vadd.f32 v4, v7;
	v14 =	vadd.f32 v16, v63;
	v9 =	vand.u32 $0x7F, v9;
	v7 =	vld.idx.msk [tilespmem:v8+s24+$0x0], $0xffff  }
.LBB2_12:
0xed: {  	v16 =	vor.u32 v0, v9;
	v17 =	vadd.s32 $0x1, v9;
	s7 =	sadd.s32 $0x2, s7;
	v18 =	vld.idx.msk [tilespmem:v8+s26+$0x0], $0xffff;
	v6 =	vadd.f32 v15, v6  }
0xee: {  	v15 =	vand.u32 $0x7F, v17;
	p1 =	slt.u32 s7, $0x3E;
	v17 =	vld.idx.msk [tilespmem:v8+s29+$0x0], $0xffff  }
0xef: {  	v8 =	vmul.f32 v10, v5;
	v15 =	vor.u32 v0, v15;
	v19 =	vld.idx.msk [tilespmem:v11+s24+$0x0], $0xffff  }
0xf0: {  	v10 =	vmul.f32 v2, v1;
	v2 =	vmul.f32 v12, v5;
	v20 =	vld.idx.msk [tilespmem:v11+s26+$0x0], $0xffff  }
0xf1: {  	v5 =	vadd.s32 $0x2, v9;
	v14 =	vadd.f32 v8, v14;
	v12 =	vmul.f32 v13, v1;
	v21 =	vld.idx.msk [tilespmem:v11+s29+$0x0], $0xffff  }
0xf2: {  	v5 =	vand.u32 $0x7F, v5;
	v6 =	vadd.f32 v2, v6;
	v1 =	vld.idx.msk [tilespmem:v16+s24+$0x0], $0xffff  }
0xf3: {  	v3 =	vadd.f32 v10, v3;
	v8 =	vor.u32 v0, v5;
	v11 =	vmul.f32 v18, v7;
	v2 =	vld.idx.msk [tilespmem:v16+s26+$0x0], $0xffff  }
.Ltmp4:
0xf4: {  	v13 =	vadd.s32 $0x3, v9;
	v4 =	vadd.f32 v12, v4;
	v7 =	vmul.f32 v17, v7;
	v5 =	vld.idx.msk [tilespmem:v15+s24+$0x0], $0xffff;
	(pc) =	sbr.rel @p1 .LBB2_12-.Ltmp4, $4  }
0xf5: {  	v13 =	vand.u32 $0x7F, v13;
	v3 =	vadd.f32 v11, v3;
	v10 =	vld.idx.msk [tilespmem:v15+s26+$0x0], $0xffff  }
0xf6: {  	v11 =	vor.u32 v0, v13;
	v17 =	vmul.f32 v20, v19;
	v4 =	vadd.f32 v7, v4;
	v12 =	vld.idx.msk [tilespmem:v15+s29+$0x0], $0xffff  }
0xf7: {  	v9 =	vadd.s32 $0x4, v9;
	v15 =	vmul.f32 v21, v19;
	v13 =	vld.idx.msk [tilespmem:v16+s29+$0x0], $0xffff  }
0xf8: {  	v9 =	vand.u32 $0x7F, v9;
	v14 =	vadd.f32 v17, v14;
	v7 =	vld.idx.msk [tilespmem:v8+s24+$0x0], $0xffff  }
0xf9: {  	_ =	sdelay $0x3  }
0xfa: {  	v0 =	vld.idx.msk [tilespmem:v8+s26+$0x0], $0xffff  }
0xfb: {  	v55 =	vld.idx.msk [tilespmem:v8+s29+$0x0], $0xffff  }
0xfc: {  	v9 =	vld.idx.msk [tilespmem:v11+s24+$0x0], $0xffff  }
0xfd: {  	v16 =	vld.idx.msk [tilespmem:v11+s26+$0x0], $0xffff  }
0xfe: {  	v56 =	vld.idx.msk [tilespmem:v11+s29+$0x0], $0xffff  }
0xff: {  	v2 =	vmul.f32 v2, v1;
	v10 =	vmul.f32 v10, v5  }
0x100: {  	v6 =	vadd.f32 v15, v6;
	v57 =	vmul.f32 v12, v5  }
0x101: {  	v2 =	vadd.f32 v2, v3;
	v10 =	vadd.f32 v10, v14;
	v58 =	vmul.f32 v13, v1  }
0x102: {  	v5 =	vadd.f32 v57, v6;
	v0 =	vmul.f32 v0, v7;
	v59 =	vmul.f32 v16, v9  }
0x103: {  	s5 =	sadd.s32 $0x1, s5;
	v1 =	vadd.f32 v58, v4;
	v60 =	vmul.f32 v55, v7;
	v61 =	vmul.f32 v56, v9  }
0x104: {  	p1 =	sne.s32 s5, $0x4;
	v0 =	vadd.f32 v0, v2;
	v62 =	vadd.f32 v59, v10  }
.Ltmp5:
0x105: {  	v1 =	vadd.f32 v60, v1;
	v63 =	vadd.f32 v61, v5;
	(pc) =	sbr.rel @p1 .LBB2_11-.Ltmp5, $4  }
0x106: {  	v0 =	vadd.f32 v62, v0  }
0x107: {  	s6 =	sor.u32 s11, s6;
	v1 =	vadd.f32 v63, v1  }
0x108: {  	[tilespmem:s6+$0x18600] =	vst v0  }
0x109: {  	[tilespmem:s6+$0x18800] =	vst v1  }
0x10a: {  	s5 =	simm.s32 @p0 $0x40;
	s6 =	simm.s32 @p0 $0x180;
	s7 =	simm.s32 @p0 $0x4600  }
0x10b: {  	[tilespmem:s7], [sflag:$0x3] =	stream.indirect.gather @p0 [hbm4b:s1+s5], $0x80, s6, s5, $0xb8;
	[tilespmem:$0x18A00] =	vst v63  }
0x10c: {  	s6 =	simm.s32 @p0 $0x380;
	s7 =	simm.s32 @p0 $0xC600  }
0x10d: {  	[tilespmem:s7], [sflag:$0x3] =	stream.indirect.gather @p0 [hbm4b:s2+s5], $0x80, s6, s5, $0xb8;
	[tilespmem:$0x18A00] =	vst v63  }
0x10e: {  	s6 =	simm.s32 @p0 $0x580;
	s7 =	simm.s32 @p0 $0x14600  }
0x10f: {  	[tilespmem:s7], [sflag:$0x3] =	stream.indirect.gather @p0 [hbm4b:s2+s5], $0x80, s6, s5, $0xb8;
	[tilespmem:$0x18A00] =	vst v63  }
0x110: {  	_ =	swait.ge [sflag:s23], $0x2000  }
0x111: {  	[sflag:s23] =	ssyncset.done $0x0  }
0x112: {  	[sflag:s23] =	ssyncadd.s32 $0xFFFFE000  }
0x113: {  	_ =	swait.ge [sflag:s23], $0x2000  }
0x114: {  	[sflag:s23] =	ssyncset.done $0x0  }
0x115: {  	[sflag:s23] =	ssyncadd.s32 $0xFFFFE000  }
0x116: {  	_ =	swait.ge [sflag:s23], $0x2000  }
0x117: {  	[sflag:s23] =	ssyncset.done $0x0  }
0x118: {  	s5 =	simm.s32 $0x0;
	[sflag:s23] =	ssyncadd.s32 $0xFFFFE000  }
.LBB2_15:
0x119: {  	s6 =	sshll.u32 s5, $0x4;
	v1 =	vlaneseq.u32  }
0x11a: {  	v0 =	vmov s6;
	v2 =	vmul.u32 $0x80, v1  }
0x11b: {  	v0 =	vshll.u32 v0, $0x7  }
0x11c: {  	v0 =	vor.u32 v2, v0  }
0x11d: {  	v3 =	vadd.s32 $0x1, v1;
	v2 =	vor.u32 v0, v1  }
0x11e: {  	v3 =	vand.u32 $0x7F, v3  }
0x11f: {  	v3 =	vor.u32 v0, v3;
	_ =	sdelay $0x1  }
0x120: {  	v4 =	vadd.s32 $0x2, v1  }
0x121: {  	v4 =	vand.u32 $0x7F, v4;
	v5 =	vld.idx.msk [tilespmem:v2+s30+$0x0], $0xffff  }
0x122: {  	v4 =	vor.u32 v0, v4;
	v6 =	vld.idx.msk [tilespmem:v2+s31+$0x0], $0xffff  }
0x123: {  	v8 =	vadd.s32 $0x3, v1;
	v7 =	vld.idx.msk [tilespmem:v3+s30+$0x0], $0xffff  }
0x124: {  	v8 =	vand.u32 $0x7F, v8;
	v9 =	vld.idx.msk [tilespmem:v3+s31+$0x0], $0xffff  }
0x125: {  	v8 =	vor.u32 v0, v8;
	v3 =	vld.idx.msk [tilespmem:v3+s0+$0x0], $0xffff  }
0x126: {  	v1 =	vadd.s32 $0x4, v1;
	v2 =	vld.idx.msk [tilespmem:v2+s0+$0x0], $0xffff  }
0x127: {  	v14 =	vand.u32 $0x7F, v1;
	v10 =	vld.idx.msk [tilespmem:v4+s30+$0x0], $0xffff  }
0x128: {  	v13 =	vor.u32 v0, v14;
	v1 =	vadd.s32 $0x1, v14;
	v11 =	vld.idx.msk [tilespmem:v4+s31+$0x0], $0xffff  }
0x129: {  	v1 =	vand.u32 $0x7F, v1;
	v4 =	vld.idx.msk [tilespmem:v4+s0+$0x0], $0xffff  }
0x12a: {  	v12 =	vor.u32 v0, v1;
	v15 =	vld.idx.msk [tilespmem:v8+s30+$0x0], $0xffff  }
0x12b: {  	v16 =	vld.idx.msk [tilespmem:v8+s31+$0x0], $0xffff  }
0x12c: {  	v17 =	vimm.f32 $0.0e+00;
	v18 =	vadd.s32 $0x2, v14;
	v19 =	vld.idx.msk [tilespmem:v8+s0+$0x0], $0xffff;
	v9 =	vmul.f32 v9, v7  }
0x12d: {  	v1 =	vld.idx.msk [tilespmem:v13+s30+$0x0], $0xffff;
	v20 =	vmul.f32 v6, v5;
	v3 =	vmul.f32 v3, v7;
	v6 =	vand.u32 $0x7F, v18  }
0x12e: {  	v7 =	vmul.f32 v2, v5;
	v2 =	vld.idx.msk [tilespmem:v13+s31+$0x0], $0xffff;
	v4 =	vmul.f32 v4, v10;
	v8 =	vor.u32 v0, v6  }
0x12f: {  	v5 =	vld.idx.msk [tilespmem:v12+s30+$0x0], $0xffff;
	v63 =	vadd.f32 v9, v17;
	v9 =	vmul.f32 v11, v10;
	v11 =	vadd.s32 $0x3, v14  }
0x130: {  	v13 =	vld.idx.msk [tilespmem:v13+s0+$0x0], $0xffff;
	v6 =	vadd.f32 v3, v17;
	v3 =	vadd.f32 v20, v17;
	v11 =	vand.u32 $0x7F, v11  }
0x131: {  	v16 =	vmul.f32 v16, v15;
	v7 =	vadd.f32 v7, v17;
	v10 =	vld.idx.msk [tilespmem:v12+s31+$0x0], $0xffff;
	v11 =	vor.u32 v0, v11  }
0x132: {  	v15 =	vmul.f32 v19, v15;
	v12 =	vld.idx.msk [tilespmem:v12+s0+$0x0], $0xffff;
	v3 =	vadd.f32 v9, v3;
	v9 =	vadd.s32 $0x4, v14  }
0x133: {  	s7 =	simm.s32 $0x2;
	v4 =	vadd.f32 v4, v7;
	v14 =	vadd.f32 v16, v63;
	v9 =	vand.u32 $0x7F, v9;
	v7 =	vld.idx.msk [tilespmem:v8+s30+$0x0], $0xffff  }
.LBB2_16:
0x134: {  	v16 =	vor.u32 v0, v9;
	v17 =	vadd.s32 $0x1, v9;
	s7 =	sadd.s32 $0x2, s7;
	v18 =	vld.idx.msk [tilespmem:v8+s31+$0x0], $0xffff;
	v6 =	vadd.f32 v15, v6  }
0x135: {  	v15 =	vand.u32 $0x7F, v17;
	p1 =	slt.u32 s7, $0x3E;
	v17 =	vld.idx.msk [tilespmem:v8+s0+$0x0], $0xffff  }
0x136: {  	v8 =	vmul.f32 v10, v5;
	v15 =	vor.u32 v0, v15;
	v19 =	vld.idx.msk [tilespmem:v11+s30+$0x0], $0xffff  }
0x137: {  	v10 =	vmul.f32 v2, v1;
	v2 =	vmul.f32 v12, v5;
	v20 =	vld.idx.msk [tilespmem:v11+s31+$0x0], $0xffff  }
0x138: {  	v5 =	vadd.s32 $0x2, v9;
	v14 =	vadd.f32 v8, v14;
	v12 =	vmul.f32 v13, v1;
	v21 =	vld.idx.msk [tilespmem:v11+s0+$0x0], $0xffff  }
0x139: {  	v5 =	vand.u32 $0x7F, v5;
	v6 =	vadd.f32 v2, v6;
	v1 =	vld.idx.msk [tilespmem:v16+s30+$0x0], $0xffff  }
0x13a: {  	v3 =	vadd.f32 v10, v3;
	v8 =	vor.u32 v0, v5;
	v11 =	vmul.f32 v18, v7;
	v2 =	vld.idx.msk [tilespmem:v16+s31+$0x0], $0xffff  }
.Ltmp6:
0x13b: {  	v13 =	vadd.s32 $0x3, v9;
	v4 =	vadd.f32 v12, v4;
	v7 =	vmul.f32 v17, v7;
	v5 =	vld.idx.msk [tilespmem:v15+s30+$0x0], $0xffff;
	(pc) =	sbr.rel @p1 .LBB2_16-.Ltmp6, $4  }
0x13c: {  	v13 =	vand.u32 $0x7F, v13;
	v3 =	vadd.f32 v11, v3;
	v10 =	vld.idx.msk [tilespmem:v15+s31+$0x0], $0xffff  }
0x13d: {  	v11 =	vor.u32 v0, v13;
	v17 =	vmul.f32 v20, v19;
	v4 =	vadd.f32 v7, v4;
	v12 =	vld.idx.msk [tilespmem:v15+s0+$0x0], $0xffff  }
0x13e: {  	v9 =	vadd.s32 $0x4, v9;
	v15 =	vmul.f32 v21, v19;
	v13 =	vld.idx.msk [tilespmem:v16+s0+$0x0], $0xffff  }
0x13f: {  	v9 =	vand.u32 $0x7F, v9;
	v14 =	vadd.f32 v17, v14;
	v7 =	vld.idx.msk [tilespmem:v8+s30+$0x0], $0xffff  }
0x140: {  	_ =	sdelay $0x3  }
0x141: {  	v0 =	vld.idx.msk [tilespmem:v8+s31+$0x0], $0xffff  }
0x142: {  	v55 =	vld.idx.msk [tilespmem:v8+s0+$0x0], $0xffff  }
0x143: {  	v9 =	vld.idx.msk [tilespmem:v11+s30+$0x0], $0xffff  }
0x144: {  	v16 =	vld.idx.msk [tilespmem:v11+s31+$0x0], $0xffff  }
0x145: {  	v56 =	vld.idx.msk [tilespmem:v11+s0+$0x0], $0xffff  }
0x146: {  	v2 =	vmul.f32 v2, v1;
	v10 =	vmul.f32 v10, v5  }
0x147: {  	v6 =	vadd.f32 v15, v6;
	v57 =	vmul.f32 v12, v5  }
0x148: {  	v2 =	vadd.f32 v2, v3;
	v10 =	vadd.f32 v10, v14;
	v58 =	vmul.f32 v13, v1  }
0x149: {  	v5 =	vadd.f32 v57, v6;
	v0 =	vmul.f32 v0, v7;
	v59 =	vmul.f32 v16, v9  }
0x14a: {  	s5 =	sadd.s32 $0x1, s5;
	v1 =	vadd.f32 v58, v4;
	v60 =	vmul.f32 v55, v7;
	v61 =	vmul.f32 v56, v9  }
0x14b: {  	p1 =	sne.s32 s5, $0x4;
	v0 =	vadd.f32 v0, v2;
	v62 =	vadd.f32 v59, v10  }
.Ltmp7:
0x14c: {  	v1 =	vadd.f32 v60, v1;
	v63 =	vadd.f32 v61, v5;
	(pc) =	sbr.rel @p1 .LBB2_15-.Ltmp7, $4  }
0x14d: {  	v0 =	vadd.f32 v62, v0  }
0x14e: {  	s6 =	sor.u32 s28, s6;
	v1 =	vadd.f32 v63, v1  }
0x14f: {  	[tilespmem:s6+$0x18600] =	vst v0  }
0x150: {  	[tilespmem:s6+$0x18800] =	vst v1  }
.Ltmp8:
0x151: {  	(pc) =	sbr.rel @p0 .LBB2_2-.Ltmp8, $2  }
0x152: {  	_ =	sdelay $0x2  }
0x153: {  	s11 =	simm.s32 $0x100;
	p1 =	por $0x0, $0x0  }
0x154: {  	s5 =	simm.s32 $0x18600  }
0x155: {  	[hbm4b:s8+s4] =	stream.linear.scatter [tilespmem:s5], [sflag:$0x5], $0x200, $0x38;
	[tilespmem:$0x18A00] =	vst v63  }
0x156: {  	s28 =	simm.s32 $0x18800;
	s25 =	sadd.s32 $0x1, s25  }
0x157: {  	[hbm4b:s9+s4] =	stream.linear.scatter [tilespmem:s28], [sflag:$0x5], $0x200, $0x38;
	[tilespmem:$0x18A00] =	vst v63  }
0x158: {  	p0 =	sne.s32 s25, s10;
	_ =	swait.ge [sflag:s13], $0x200  }
.Ltmp9:
0x159: {  	[sflag:s13] =	ssyncset.done $0x0;
	(pc) =	sbr.rel @p0 .LBB2_1-.Ltmp9, $4  }
0x15a: {  	[sflag:s13] =	ssyncadd.s32 $0xFFFFFE00  }
0x15b: {  	_ =	swait.ge [sflag:s13], $0x200  }
0x15c: {  	[sflag:s13] =	ssyncset.done $0x0  }
0x15d: {  	[sflag:s13] =	ssyncadd.s32 $0xFFFFFE00  }
0x15e: {  	_ =	sfence.sel $0x180000  }
0x15f: {  	[bflag:$0x0] =	sbarrier.arrive $0xFFFF  }
0x160: {  	_ =	strace $0x90000047  }
0x161: {  	s0 =	stileid.u32;
	[bflag:$0x2] =	sbarrier.arrive $0xFFFF  }
0x162: {  	p0 =	sne.s32 s0, $0x0;
	s0 =	rddreg [dreg:$0x7]  }
0x163: {  	s0 =	sadd.s32 @!p0 $0x100000, s0  }
0x164: {  	[sflag:s0] =	ssyncadd.tile.s32 @!p0 $0x1;
	_ =	shalt  }
.Lfunc_end2:
_tile_overlayer_lowered:
.L_overlay_start_2:
0x165: {  	(tag) =	ssettag $0x2  }
0x166: {  	s0 =	rddreg [dreg:$0x0];
	s2 =	stileid.u32  }
0x167: {  	s1 =	rddreg [dreg:$0x1];
	p0 =	sne.s32 s2, $0x0  }
0x168: {  	s3 =	rddreg [dreg:$0x2];
	[bflag:$0x3] =	sbarrier.arrive $0xFFFF;
	s2 =	simm.s32 @!p0 $0x1C06  }
0x169: {  	[timem:s3], [sflag:s2] =	dma.local @!p0 [hbm:s0], s1  }
0x16a: {  	s0 =	simm.s32 @!p0 $0x6  }
0x16b: {  	_ =	swait.ge @!p0 [sflag:s0], s1  }
0x16c: {  	s1 =	ssub.s32 @!p0 $0x0, s1;
	[sflag:s0] =	ssyncset.done @!p0 $0x0  }
0x16d: {  	[sflag:s0] =	ssyncadd.s32 @!p0 s1  }
0x16e: {  	[bflag:$0x3] =	sbarrier.arrive $0xFFFF  }
0x16f: {  	_ =	shalt  }

</sc_bundles>
